<compile_context>
chip_gen: v7x
topology: tpu7x:2x2x1
jax: 0.10.2.dev20260603
libtpu: 0.0.44.dev20260713+nightly
codegen_flags: <defaults>
</compile_context>

<pallas_src>
import functools

import jax
import jax.numpy as jnp
from jax import lax
from jax.experimental import pallas as pl
from jax.experimental.pallas import tpu as pltpu
from jax.experimental.pallas import tpu_sc as plsc

NUM_CORES = 2
NUM_SUBCORES = 16
NW = NUM_CORES * NUM_SUBCORES
BATCH = 16384
EMBED = 64
HIDDEN = 128
NROW = 1000000
BPW = BATCH // NW
NRING = 2


@functools.lru_cache(maxsize=1)
def _get_sc_gather():
    mesh = plsc.VectorSubcoreMesh(
        core_axis_name="c", subcore_axis_name="s",
        num_cores=NUM_CORES, num_subcores=NUM_SUBCORES)

    @functools.partial(
        pl.kernel,
        out_type=(jax.ShapeDtypeStruct((BATCH // 2, 2 * EMBED), jnp.float32),
                  jax.ShapeDtypeStruct((BATCH // 2, 2 * EMBED), jnp.float32)),
        mesh=mesh,
        scratch_types=(
            pltpu.VMEM((BPW,), jnp.int32),
            pltpu.VMEM((BPW,), jnp.int32),
            pltpu.VMEM((NRING, EMBED, 128), jnp.float32),
            pltpu.VMEM((NRING, EMBED, 128), jnp.float32),
            pltpu.VMEM((BPW // 2, 2 * EMBED), jnp.float32),
            pltpu.VMEM((BPW // 2, 2 * EMBED), jnp.float32),
            pltpu.SemaphoreType.DMA,
            pltpu.SemaphoreType.DMA,
        ),
        compiler_params=pltpu.CompilerParams(use_tc_tiling_on_sc=True,
                                             needs_layout_passes=False),
    )
    def sc_gather(uid_hbm, vid_hbm, ut_hbm, vt_hbm, u_out, v_out,
                  uids, vids, uring, vring, du, dv, su, sv):
        wid = lax.axis_index("s") * NUM_CORES + lax.axis_index("c")
        base = wid * BPW

        pltpu.sync_copy(uid_hbm.at[pl.ds(base, BPW)], uids)
        pltpu.sync_copy(vid_hbm.at[pl.ds(base, BPW)], vids)

        def id_at(ids, i):
            grp = ids[pl.ds((i // 16) * 16, 16)]
            sel = lax.iota(jnp.int32, 16) == (i % 16)
            return jnp.max(jnp.where(sel, grp, 0))

        def slab_copy(tab, ids, ring, i, sem):
            off = pl.multiple_of((id_at(ids, i) >> 7) * 128, 128)
            return pltpu.make_async_copy(
                tab.at[pl.ds(0, EMBED), pl.ds(off, 128)],
                ring.at[i % NRING], sem)

        slab_copy(ut_hbm, uids, uring, 0, su).start()
        slab_copy(vt_hbm, vids, vring, 0, sv).start()

        def extract(ids, ring, dst, i):
            r = id_at(ids, i)
            lane = jnp.full((16,), r & 127, jnp.int32)
            row = i // 2
            colbase = (i % 2) * EMBED
            for g in range(EMBED // 16):
                cv = lax.iota(jnp.int32, 16) + (g * 16)
                vals = plsc.load_gather(ring.at[i % NRING], [cv, lane])
                dst[row, pl.ds(colbase + g * 16, 16)] = vals

        def step(i, _):
            @pl.when(i < BPW - 1)
            def _prefetch():
                slab_copy(ut_hbm, uids, uring, i + 1, su).start()
                slab_copy(vt_hbm, vids, vring, i + 1, sv).start()

            slab_copy(ut_hbm, uids, uring, i, su).wait()
            extract(uids, uring, du, i)
            slab_copy(vt_hbm, vids, vring, i, sv).wait()
            extract(vids, vring, dv, i)
            return 0

        lax.fori_loop(0, BPW, step, 0)

        pltpu.sync_copy(du, u_out.at[pl.ds(wid * (BPW // 2), BPW // 2)])
        pltpu.sync_copy(dv, v_out.at[pl.ds(wid * (BPW // 2), BPW // 2)])

    return sc_gather


BM = 2048


def _mlp_body(up_ref, vp_ref, we_u, we_v, wo_u, wo_v,
              b1_ref, w2_ref, b2_ref, oe_ref, oo_ref):
    up = up_ref[...]
    vp = vp_ref[...]
    he = jnp.dot(up, we_u[...], preferred_element_type=jnp.float32)
    he = he + jnp.dot(vp, we_v[...], preferred_element_type=jnp.float32)
    he = jnp.maximum(he + b1_ref[...], 0.0)
    oe = jnp.dot(he, w2_ref[...], preferred_element_type=jnp.float32)
    oe_ref[...] = jax.nn.sigmoid(oe + b2_ref[0, 0])
    ho = jnp.dot(up, wo_u[...], preferred_element_type=jnp.float32)
    ho = ho + jnp.dot(vp, wo_v[...], preferred_element_type=jnp.float32)
    ho = jnp.maximum(ho + b1_ref[...], 0.0)
    oo = jnp.dot(ho, w2_ref[...], preferred_element_type=jnp.float32)
    oo_ref[...] = jax.nn.sigmoid(oo + b2_ref[0, 0])


_mlp = pl.pallas_call(
    _mlp_body,
    grid=(BATCH // BM,),
    in_specs=[
        pl.BlockSpec((BM // 2, 2 * EMBED), lambda i: (i, 0)),
        pl.BlockSpec((BM // 2, 2 * EMBED), lambda i: (i, 0)),
        pl.BlockSpec((2 * EMBED, HIDDEN), lambda i: (0, 0)),
        pl.BlockSpec((2 * EMBED, HIDDEN), lambda i: (0, 0)),
        pl.BlockSpec((2 * EMBED, HIDDEN), lambda i: (0, 0)),
        pl.BlockSpec((2 * EMBED, HIDDEN), lambda i: (0, 0)),
        pl.BlockSpec((1, HIDDEN), lambda i: (0, 0)),
        pl.BlockSpec((HIDDEN, 1), lambda i: (0, 0)),
        pl.BlockSpec((1, 1), lambda i: (0, 0)),
    ],
    out_specs=(pl.BlockSpec((BM // 2, 1), lambda i: (i, 0)),
               pl.BlockSpec((BM // 2, 1), lambda i: (i, 0))),
    out_shape=(jax.ShapeDtypeStruct((BATCH // 2, 1), jnp.float32),
               jax.ShapeDtypeStruct((BATCH // 2, 1), jnp.float32)),
)


def kernel(user_id, video_id, user_table, video_table, W1, b1, W2, b2):
    up, vp = _get_sc_gather()(user_id, video_id, user_table.T, video_table.T)
    z = jnp.zeros((EMBED, HIDDEN), jnp.float32)
    we_u = jnp.concatenate([W1[:EMBED], z], axis=0)
    we_v = jnp.concatenate([W1[EMBED:], z], axis=0)
    wo_u = jnp.concatenate([z, W1[:EMBED]], axis=0)
    wo_v = jnp.concatenate([z, W1[EMBED:]], axis=0)
    oe, oo = _mlp(up, vp, we_u, we_v, wo_u, wo_v,
                  b1.reshape(1, HIDDEN), W2, b2.reshape(1, 1))
    return jnp.concatenate([oe, oo], axis=1).reshape(BATCH, 1)

# --- scband reference (transcript-rebuilt; emitter-appended) ---
"""Pipeline reference for scband-video-recommender-37357625541111 (READ-ONLY COPY).

The authoritative reference and input builder live on the scoring server;
editing this copy changes nothing except your own understanding.
"""

import jax, jax.numpy as jnp
import numpy as np

NUM_USERS = 1000000
NUM_VIDEOS = 1000000
EMBED = 64
BATCH = 16384

def setup_inputs(seed: int = 0) -> dict:
    key = jax.random.key(seed)
    ks = jax.random.split(key, 8)
    user_id = jax.random.randint(ks[0], (BATCH,), 0, NUM_USERS, dtype=jnp.int64 if jax.config.jax_enable_x64 else jnp.int32).astype(jnp.int32)
    video_id = jax.random.randint(ks[1], (BATCH,), 0, NUM_VIDEOS, dtype=jnp.int64 if jax.config.jax_enable_x64 else jnp.int32).astype(jnp.int32)
    user_table = jax.random.normal(ks[2], (NUM_USERS, EMBED), dtype=jnp.float32) * 0.05
    video_table = jax.random.normal(ks[3], (NUM_VIDEOS, EMBED), dtype=jnp.float32) * 0.05
    W1 = jax.random.normal(ks[4], (2 * EMBED, 128), dtype=jnp.float32) * (1.0 / np.sqrt(2 * EMBED))
    b1 = jnp.zeros((128,), dtype=jnp.float32)
    W2 = jax.random.normal(ks[5], (128, 1), dtype=jnp.float32) * (1.0 / np.sqrt(128))
    b2 = jnp.zeros((1,), dtype=jnp.float32)
    return {"user_id": user_id, "video_id": video_id, "user_table": user_table, "video_table": video_table, "W1": W1, "b1": b1, "W2": W2, "b2": b2}

def reference(user_id, video_id, user_table, video_table, W1, b1, W2, b2):
    # Embedding lookups (SparseCore gather)
    user_vector = jnp.take(user_table, user_id, axis=0)
    video_vector = jnp.take(video_table, video_id, axis=0)
    x = jnp.concatenate([user_vector, video_vector], axis=-1)
    x = jax.nn.relu(jnp.dot(x, W1) + b1)
    # dropout is identity at inference
    out = jax.nn.sigmoid(jnp.dot(x, W2) + b2)
    return out

if __name__ == "__main__":
    import jax
    _d = setup_inputs()
    print(jax.jit(kernel)(*tuple(_d.values())))

</pallas_src>

<mosaic_0001>
#map = affine_map<(d0, d1) -> (0)>
#map1 = affine_map<(d0, d1) -> (0, 0)>
module attributes {stable_mosaic.version = 14 : i64} {
  func.func @sc_gather(%arg0: i32, %arg1: i32, %arg2: memref<16384xi32, #tpu.memory_space<hbm>>, %arg3: memref<16384xi32, #tpu.memory_space<hbm>>, %arg4: memref<64x1000000xf32, #tpu.memory_space<hbm>>, %arg5: memref<64x1000000xf32, #tpu.memory_space<hbm>>, %arg6: memref<8192x128xf32, #tpu.memory_space<hbm>>, %arg7: memref<8192x128xf32, #tpu.memory_space<hbm>>, %arg8: memref<512xi32, #tpu.memory_space<vmem>>, %arg9: memref<512xi32, #tpu.memory_space<vmem>>, %arg10: memref<2x64x128xf32, #tpu.memory_space<vmem>>, %arg11: memref<2x64x128xf32, #tpu.memory_space<vmem>>, %arg12: memref<256x128xf32, #tpu.memory_space<vmem>>, %arg13: memref<256x128xf32, #tpu.memory_space<vmem>>, %arg14: memref<!tpu.dma_semaphore, #tpu.memory_space<semaphore_mem>>, %arg15: memref<!tpu.dma_semaphore, #tpu.memory_space<semaphore_mem>>) attributes {dimension_semantics = [#tpu.dimension_semantics<core_parallel>, #tpu.dimension_semantics<subcore_parallel>], iteration_bounds = array<i64: 2, 16>, scalar_prefetch = 0 : i64, scratch_operands = 8 : i64, tpu.core_type = #tpu.core_type<sc_vector_subcore>, window_params = [{transform_indices = #map}, {transform_indices = #map}, {transform_indices = #map1}, {transform_indices = #map1}, {transform_indices = #map1}, {transform_indices = #map1}]} {
    %mul3A = arith.constant 2 : i32
    %mul3A_0 = arith.muli %arg1, %mul3A : i32
    %add3A = arith.addi %mul3A_0, %arg0 : i32
    %mul3A_1 = arith.constant 512 : i32
    %mul3A_2 = arith.muli %add3A, %mul3A_1 : i32
    "tpu.region"() ({
      %run_scoped3A = tpu.sem_alloc : memref<!tpu.dma_semaphore, #tpu.memory_space<semaphore_mem>>
      %dma_start3A_73 = tpu.memref_slice %arg2[%mul3A_2] : memref<16384xi32, #tpu.memory_space<hbm>> -> memref<512xi32, #tpu.memory_space<hbm>>
      %dma_start3A_74 = tpu.memref_slice %arg2[%mul3A_2] : memref<16384xi32, #tpu.memory_space<hbm>> -> memref<512xi32, #tpu.memory_space<hbm>>
      tpu.enqueue_dma source(%dma_start3A_74 : memref<512xi32, #tpu.memory_space<hbm>>) target(%arg8 : memref<512xi32, #tpu.memory_space<vmem>>) target_semaphore(%run_scoped3A : memref<!tpu.dma_semaphore, #tpu.memory_space<semaphore_mem>>)
      %dma_wait3A = tpu.memref_slice %arg2[%mul3A_2] : memref<16384xi32, #tpu.memory_space<hbm>> -> memref<512xi32, #tpu.memory_space<hbm>>
      %dma_wait3A_75 = tpu.memref_slice %arg2[%mul3A_2] : memref<16384xi32, #tpu.memory_space<hbm>> -> memref<512xi32, #tpu.memory_space<hbm>>
      tpu.wait_dma2 semaphore(%run_scoped3A : memref<!tpu.dma_semaphore, #tpu.memory_space<semaphore_mem>>) src(%dma_wait3A_75 : memref<512xi32, #tpu.memory_space<hbm>>) dst(%arg8 : memref<512xi32, #tpu.memory_space<vmem>>)
      tpu.yield
    }) : () -> ()
    "tpu.region"() ({
      %run_scoped3A = tpu.sem_alloc : memref<!tpu.dma_semaphore, #tpu.memory_space<semaphore_mem>>
      %dma_start3A_73 = tpu.memref_slice %arg3[%mul3A_2] : memref<16384xi32, #tpu.memory_space<hbm>> -> memref<512xi32, #tpu.memory_space<hbm>>
      %dma_start3A_74 = tpu.memref_slice %arg3[%mul3A_2] : memref<16384xi32, #tpu.memory_space<hbm>> -> memref<512xi32, #tpu.memory_space<hbm>>
      tpu.enqueue_dma source(%dma_start3A_74 : memref<512xi32, #tpu.memory_space<hbm>>) target(%arg9 : memref<512xi32, #tpu.memory_space<vmem>>) target_semaphore(%run_scoped3A : memref<!tpu.dma_semaphore, #tpu.memory_space<semaphore_mem>>)
      %dma_wait3A = tpu.memref_slice %arg3[%mul3A_2] : memref<16384xi32, #tpu.memory_space<hbm>> -> memref<512xi32, #tpu.memory_space<hbm>>
      %dma_wait3A_75 = tpu.memref_slice %arg3[%mul3A_2] : memref<16384xi32, #tpu.memory_space<hbm>> -> memref<512xi32, #tpu.memory_space<hbm>>
      tpu.wait_dma2 semaphore(%run_scoped3A : memref<!tpu.dma_semaphore, #tpu.memory_space<semaphore_mem>>) src(%dma_wait3A_75 : memref<512xi32, #tpu.memory_space<hbm>>) dst(%arg9 : memref<512xi32, #tpu.memory_space<vmem>>)
      tpu.yield
    }) : () -> ()
    %get3A = arith.constant 0 : index
    %get3A_3 = tpu.vector_load %arg8[%get3A] {strides = array<i32>} : memref<512xi32, #tpu.memory_space<vmem>>, vector<16xi32>,
    %iota3A = tpu.iota {dimensions = array<i32: 0>} : vector<16xi32>
    %eq3A = arith.constant 0 : i32
    %eq3A_4 = vector.broadcast %eq3A : i32 to vector<16xi32>
    %eq3A_5 = arith.cmpi eq, %iota3A, %eq3A_4 : vector<16xi32>
    %jit3A = arith.constant 0 : i32
    %broadcast_in_dim3A = vector.broadcast %jit3A : i32 to vector<16xi32>
    %select_n3A = arith.select %eq3A_5, %get3A_3, %broadcast_in_dim3A : vector<16xi1>, vector<16xi32>
    %reduce_max3A = arith.constant true
    %reduce_max3A_6 = vector.broadcast %reduce_max3A : i1 to vector<16xi1>
    %reduce_max3A_7 = arith.constant -2147483648 : i32
    %reduce_max3A_8 = vector.broadcast %reduce_max3A_7 : i32 to vector<16xi32>
    %reduce_max3A_9 = arith.xori %select_n3A, %reduce_max3A_8 : vector<16xi32>
    %reduce_max3A_10 = tpu.scan <max>, %reduce_max3A_9 masked %reduce_max3A_6 : vector<16xi32>, vector<16xi1> -> vector<16xi32>
    %reduce_max3A_11 = arith.xori %reduce_max3A_10, %reduce_max3A_8 : vector<16xi32>
    %reduce_max3A_12 = vector.extract %reduce_max3A_11[15] : i32 from vector<16xi32>
    %shift_right_arithmetic3A = arith.constant 7 : i32
    %shift_right_arithmetic3A_13 = arith.shrsi %reduce_max3A_12, %shift_right_arithmetic3A : i32
    %mul3A_14 = arith.constant 128 : i32
    %mul3A_15 = arith.muli %shift_right_arithmetic3A_13, %mul3A_14 : i32
    %multiple_of3A = tpu.assume_multiple %mul3A_15, 128 : i32
    %dma_start3A = arith.constant 0 : i32
    %dma_start3A_16 = arith.constant 0 : i32
    %dma_start3A_17 = arith.constant 0 : i32
    %dma_start3A_18 = tpu.memref_slice %arg10[%dma_start3A, %dma_start3A_16, %dma_start3A_17] : memref<2x64x128xf32, #tpu.memory_space<vmem>> -> memref<1x64x128xf32, #tpu.memory_space<vmem>>
    %dma_start3A_19 = tpu.memref_squeeze %dma_start3A_18 : memref<1x64x128xf32, #tpu.memory_space<vmem>> -> memref<64x128xf32, #tpu.memory_space<vmem>>
    %dma_start3A_20 = arith.constant 0 : i32
    %dma_start3A_21 = tpu.memref_slice %arg4[%dma_start3A_20, %multiple_of3A] : memref<64x1000000xf32, #tpu.memory_space<hbm>> -> memref<64x128xf32, #tpu.memory_space<hbm>>
    %dma_start3A_22 = arith.constant 0 : i32
    %dma_start3A_23 = arith.constant 0 : i32
    %dma_start3A_24 = tpu.memref_slice %arg10[%dma_start3A, %dma_start3A_22, %dma_start3A_23] : memref<2x64x128xf32, #tpu.memory_space<vmem>> -> memref<1x64x128xf32, #tpu.memory_space<vmem>>
    %dma_start3A_25 = tpu.memref_squeeze %dma_start3A_24 : memref<1x64x128xf32, #tpu.memory_space<vmem>> -> memref<64x128xf32, #tpu.memory_space<vmem>>
    %dma_start3A_26 = arith.constant 0 : i32
    %dma_start3A_27 = tpu.memref_slice %arg4[%dma_start3A_26, %multiple_of3A] : memref<64x1000000xf32, #tpu.memory_space<hbm>> -> memref<64x128xf32, #tpu.memory_space<hbm>>
    tpu.enqueue_dma source(%dma_start3A_27 : memref<64x128xf32, #tpu.memory_space<hbm>>) target(%dma_start3A_25 : memref<64x128xf32, #tpu.memory_space<vmem>>) target_semaphore(%arg14 : memref<!tpu.dma_semaphore, #tpu.memory_space<semaphore_mem>>)
    %get3A_28 = arith.constant 0 : index
    %get3A_29 = tpu.vector_load %arg9[%get3A_28] {strides = array<i32>} : memref<512xi32, #tpu.memory_space<vmem>>, vector<16xi32>,
    %iota3A_30 = tpu.iota {dimensions = array<i32: 0>} : vector<16xi32>
    %eq3A_31 = arith.constant 0 : i32
    %eq3A_32 = vector.broadcast %eq3A_31 : i32 to vector<16xi32>
    %eq3A_33 = arith.cmpi eq, %iota3A_30, %eq3A_32 : vector<16xi32>
    %jit3A_34 = arith.constant 0 : i32
    %broadcast_in_dim3A_35 = vector.broadcast %jit3A_34 : i32 to vector<16xi32>
    %select_n3A_36 = arith.select %eq3A_33, %get3A_29, %broadcast_in_dim3A_35 : vector<16xi1>, vector<16xi32>
    %reduce_max3A_37 = arith.constant true
    %reduce_max3A_38 = vector.broadcast %reduce_max3A_37 : i1 to vector<16xi1>
    %reduce_max3A_39 = arith.constant -2147483648 : i32
    %reduce_max3A_40 = vector.broadcast %reduce_max3A_39 : i32 to vector<16xi32>
    %reduce_max3A_41 = arith.xori %select_n3A_36, %reduce_max3A_40 : vector<16xi32>
    %reduce_max3A_42 = tpu.scan <max>, %reduce_max3A_41 masked %reduce_max3A_38 : vector<16xi32>, vector<16xi1> -> vector<16xi32>
    %reduce_max3A_43 = arith.xori %reduce_max3A_42, %reduce_max3A_40 : vector<16xi32>
    %reduce_max3A_44 = vector.extract %reduce_max3A_43[15] : i32 from vector<16xi32>
    %shift_right_arithmetic3A_45 = arith.constant 7 : i32
    %shift_right_arithmetic3A_46 = arith.shrsi %reduce_max3A_44, %shift_right_arithmetic3A_45 : i32
    %mul3A_47 = arith.constant 128 : i32
    %mul3A_48 = arith.muli %shift_right_arithmetic3A_46, %mul3A_47 : i32
    %multiple_of3A_49 = tpu.assume_multiple %mul3A_48, 128 : i32
    %dma_start3A_50 = arith.constant 0 : i32
    %dma_start3A_51 = arith.constant 0 : i32
    %dma_start3A_52 = arith.constant 0 : i32
    %dma_start3A_53 = tpu.memref_slice %arg11[%dma_start3A_50, %dma_start3A_51, %dma_start3A_52] : memref<2x64x128xf32, #tpu.memory_space<vmem>> -> memref<1x64x128xf32, #tpu.memory_space<vmem>>
    %dma_start3A_54 = tpu.memref_squeeze %dma_start3A_53 : memref<1x64x128xf32, #tpu.memory_space<vmem>> -> memref<64x128xf32, #tpu.memory_space<vmem>>
    %dma_start3A_55 = arith.constant 0 : i32
    %dma_start3A_56 = tpu.memref_slice %arg5[%dma_start3A_55, %multiple_of3A_49] : memref<64x1000000xf32, #tpu.memory_space<hbm>> -> memref<64x128xf32, #tpu.memory_space<hbm>>
    %dma_start3A_57 = arith.constant 0 : i32
    %dma_start3A_58 = arith.constant 0 : i32
    %dma_start3A_59 = tpu.memref_slice %arg11[%dma_start3A_50, %dma_start3A_57, %dma_start3A_58] : memref<2x64x128xf32, #tpu.memory_space<vmem>> -> memref<1x64x128xf32, #tpu.memory_space<vmem>>
    %dma_start3A_60 = tpu.memref_squeeze %dma_start3A_59 : memref<1x64x128xf32, #tpu.memory_space<vmem>> -> memref<64x128xf32, #tpu.memory_space<vmem>>
    %dma_start3A_61 = arith.constant 0 : i32
    %dma_start3A_62 = tpu.memref_slice %arg5[%dma_start3A_61, %multiple_of3A_49] : memref<64x1000000xf32, #tpu.memory_space<hbm>> -> memref<64x128xf32, #tpu.memory_space<hbm>>
    tpu.enqueue_dma source(%dma_start3A_62 : memref<64x128xf32, #tpu.memory_space<hbm>>) target(%dma_start3A_60 : memref<64x128xf32, #tpu.memory_space<vmem>>) target_semaphore(%arg15 : memref<!tpu.dma_semaphore, #tpu.memory_space<semaphore_mem>>)
    %scan3A = arith.constant 0 : i32
    %scan3A_63 = arith.constant 0 : i32
    %scan3A_64 = arith.constant 512 : i32
    %scan3A_65 = arith.addi %scan3A_63, %scan3A_64 : i32
    %scan3A_66 = arith.constant 1 : i32
    %scan3A_67 = scf.for %scan3A_73 = %scan3A_63 to %scan3A_65 step %scan3A_66 iter_args(%scan3A_74 = %scan3A) -> (i32)  : i32 {
      %lt3A = arith.constant 511 : i32
      %lt3A_75 = arith.cmpi slt, %scan3A_73, %lt3A : i32
      %convert_element_type3A = arith.extui %lt3A_75 : i1 to i32
      %cond3A = arith.constant 0 : i32
      %cond3A_76 = arith.cmpi ne, %convert_element_type3A, %cond3A : i32
      scf.if %cond3A_76 {
        %add3A_697 = arith.constant 1 : i32
        %add3A_698 = arith.addi %scan3A_73, %add3A_697 : i32
        %jit3A_699 = arith.constant 16 : i32
        %div3A_700 = arith.divsi %add3A_698, %jit3A_699 : i32
        %sign3A_701 = arith.constant 0 : i32
        %sign3A_702 = arith.cmpi sgt, %add3A_698, %sign3A_701 : i32
        %sign3A_703 = arith.extui %sign3A_702 : i1 to i32
        %sign3A_704 = arith.constant 0 : i32
        %sign3A_705 = arith.cmpi slt, %add3A_698, %sign3A_704 : i32
        %sign3A_706 = arith.extui %sign3A_705 : i1 to i32
        %sign3A_707 = arith.subi %sign3A_703, %sign3A_706 : i32
        %sign3A_708 = arith.constant 0 : i32
        %sign3A_709 = arith.cmpi sgt, %jit3A_699, %sign3A_708 : i32
        %sign3A_710 = arith.extui %sign3A_709 : i1 to i32
        %sign3A_711 = arith.constant 0 : i32
        %sign3A_712 = arith.cmpi slt, %jit3A_699, %sign3A_711 : i32
        %sign3A_713 = arith.extui %sign3A_712 : i1 to i32
        %sign3A_714 = arith.subi %sign3A_710, %sign3A_713 : i32
        %ne3A_715 = arith.cmpi ne, %sign3A_707, %sign3A_714 : i32
        %rem3A_716 = arith.remsi %add3A_698, %jit3A_699 : i32
        %ne3A_717 = arith.constant 0 : i32
        %ne3A_718 = arith.cmpi ne, %rem3A_716, %ne3A_717 : i32
        %and3A_719 = arith.andi %ne3A_715, %ne3A_718 : i1
        %sub3A_720 = arith.constant 1 : i32
        %sub3A_721 = arith.subi %div3A_700, %sub3A_720 : i32
        %select_n3A_722 = arith.select %and3A_719, %sub3A_721, %div3A_700 : i32
        %mul3A_723 = arith.constant 16 : i32
        %mul3A_724 = arith.muli %select_n3A_722, %mul3A_723 : i32
        %get3A_725 = arith.index_cast %mul3A_724 : i32 to index
        %get3A_726 = tpu.vector_load %arg8[%get3A_725] {strides = array<i32>} : memref<512xi32, #tpu.memory_space<vmem>>, vector<16xi32>,
        %iota3A_727 = tpu.iota {dimensions = array<i32: 0>} : vector<16xi32>
        %jit3A_728 = arith.constant 16 : i32
        %eq3A_729 = arith.constant 0 : i32
        %eq3A_730 = arith.cmpi eq, %jit3A_728, %eq3A_729 : i32
        %jit3A_731 = arith.constant 1 : i32
        %select_n3A_732 = arith.select %eq3A_730, %jit3A_731, %jit3A_728 : i32
        %rem3A_733 = arith.remsi %add3A_698, %select_n3A_732 : i32
        %ne3A_734 = arith.constant 0 : i32
        %ne3A_735 = arith.cmpi ne, %rem3A_733, %ne3A_734 : i32
        %lt3A_736 = arith.constant 0 : i32
        %lt3A_737 = arith.cmpi slt, %rem3A_733, %lt3A_736 : i32
        %lt3A_738 = arith.constant 0 : i32
        %lt3A_739 = arith.cmpi slt, %select_n3A_732, %lt3A_738 : i32
        %ne3A_740 = arith.xori %lt3A_737, %lt3A_739 : i1
        %and3A_741 = arith.andi %ne3A_740, %ne3A_735 : i1
        %add3A_742 = arith.addi %rem3A_733, %select_n3A_732 : i32
        %select_n3A_743 = arith.select %and3A_741, %add3A_742, %rem3A_733 : i32
        %eq3A_744 = vector.broadcast %select_n3A_743 : i32 to vector<16xi32>
        %eq3A_745 = arith.cmpi eq, %iota3A_727, %eq3A_744 : vector<16xi32>
        %jit3A_746 = arith.constant 0 : i32
        %broadcast_in_dim3A_747 = vector.broadcast %jit3A_746 : i32 to vector<16xi32>
        %select_n3A_748 = arith.select %eq3A_745, %get3A_726, %broadcast_in_dim3A_747 : vector<16xi1>, vector<16xi32>
        %reduce_max3A_749 = arith.constant true
        %reduce_max3A_750 = vector.broadcast %reduce_max3A_749 : i1 to vector<16xi1>
        %reduce_max3A_751 = arith.constant -2147483648 : i32
        %reduce_max3A_752 = vector.broadcast %reduce_max3A_751 : i32 to vector<16xi32>
        %reduce_max3A_753 = arith.xori %select_n3A_748, %reduce_max3A_752 : vector<16xi32>
        %reduce_max3A_754 = tpu.scan <max>, %reduce_max3A_753 masked %reduce_max3A_750 : vector<16xi32>, vector<16xi1> -> vector<16xi32>
        %reduce_max3A_755 = arith.xori %reduce_max3A_754, %reduce_max3A_752 : vector<16xi32>
        %reduce_max3A_756 = vector.extract %reduce_max3A_755[15] : i32 from vector<16xi32>
        %shift_right_arithmetic3A_757 = arith.constant 7 : i32
        %shift_right_arithmetic3A_758 = arith.shrsi %reduce_max3A_756, %shift_right_arithmetic3A_757 : i32
        %mul3A_759 = arith.constant 128 : i32
        %mul3A_760 = arith.muli %shift_right_arithmetic3A_758, %mul3A_759 : i32
        %multiple_of3A_761 = tpu.assume_multiple %mul3A_760, 128 : i32
        %jit3A_762 = arith.constant 2 : i32
        %eq3A_763 = arith.constant 0 : i32
        %eq3A_764 = arith.cmpi eq, %jit3A_762, %eq3A_763 : i32
        %jit3A_765 = arith.constant 1 : i32
        %select_n3A_766 = arith.select %eq3A_764, %jit3A_765, %jit3A_762 : i32
        %rem3A_767 = arith.remsi %add3A_698, %select_n3A_766 : i32
        %ne3A_768 = arith.constant 0 : i32
        %ne3A_769 = arith.cmpi ne, %rem3A_767, %ne3A_768 : i32
        %lt3A_770 = arith.constant 0 : i32
        %lt3A_771 = arith.cmpi slt, %rem3A_767, %lt3A_770 : i32
        %lt3A_772 = arith.constant 0 : i32
        %lt3A_773 = arith.cmpi slt, %select_n3A_766, %lt3A_772 : i32
        %ne3A_774 = arith.xori %lt3A_771, %lt3A_773 : i1
        %and3A_775 = arith.andi %ne3A_774, %ne3A_769 : i1
        %add3A_776 = arith.addi %rem3A_767, %select_n3A_766 : i32
        %select_n3A_777 = arith.select %and3A_775, %add3A_776, %rem3A_767 : i32
        %dma_start3A_778 = arith.constant 0 : i32
        %dma_start3A_779 = arith.constant 0 : i32
        %dma_start3A_780 = tpu.memref_slice %arg10[%select_n3A_777, %dma_start3A_778, %dma_start3A_779] : memref<2x64x128xf32, #tpu.memory_space<vmem>> -> memref<1x64x128xf32, #tpu.memory_space<vmem>>
        %dma_start3A_781 = tpu.memref_squeeze %dma_start3A_780 : memref<1x64x128xf32, #tpu.memory_space<vmem>> -> memref<64x128xf32, #tpu.memory_space<vmem>>
        %dma_start3A_782 = arith.constant 0 : i32
        %dma_start3A_783 = tpu.memref_slice %arg4[%dma_start3A_782, %multiple_of3A_761] : memref<64x1000000xf32, #tpu.memory_space<hbm>> -> memref<64x128xf32, #tpu.memory_space<hbm>>
        %dma_start3A_784 = arith.constant 0 : i32
        %dma_start3A_785 = arith.constant 0 : i32
        %dma_start3A_786 = tpu.memref_slice %arg10[%select_n3A_777, %dma_start3A_784, %dma_start3A_785] : memref<2x64x128xf32, #tpu.memory_space<vmem>> -> memref<1x64x128xf32, #tpu.memory_space<vmem>>
        %dma_start3A_787 = tpu.memref_squeeze %dma_start3A_786 : memref<1x64x128xf32, #tpu.memory_space<vmem>> -> memref<64x128xf32, #tpu.memory_space<vmem>>
        %dma_start3A_788 = arith.constant 0 : i32
        %dma_start3A_789 = tpu.memref_slice %arg4[%dma_start3A_788, %multiple_of3A_761] : memref<64x1000000xf32, #tpu.memory_space<hbm>> -> memref<64x128xf32, #tpu.memory_space<hbm>>
        tpu.enqueue_dma source(%dma_start3A_789 : memref<64x128xf32, #tpu.memory_space<hbm>>) target(%dma_start3A_787 : memref<64x128xf32, #tpu.memory_space<vmem>>) target_semaphore(%arg14 : memref<!tpu.dma_semaphore, #tpu.memory_space<semaphore_mem>>)
        %add3A_790 = arith.constant 1 : i32
        %add3A_791 = arith.addi %scan3A_73, %add3A_790 : i32
        %jit3A_792 = arith.constant 16 : i32
        %div3A_793 = arith.divsi %add3A_791, %jit3A_792 : i32
        %sign3A_794 = arith.constant 0 : i32
        %sign3A_795 = arith.cmpi sgt, %add3A_791, %sign3A_794 : i32
        %sign3A_796 = arith.extui %sign3A_795 : i1 to i32
        %sign3A_797 = arith.constant 0 : i32
        %sign3A_798 = arith.cmpi slt, %add3A_791, %sign3A_797 : i32
        %sign3A_799 = arith.extui %sign3A_798 : i1 to i32
        %sign3A_800 = arith.subi %sign3A_796, %sign3A_799 : i32
        %sign3A_801 = arith.constant 0 : i32
        %sign3A_802 = arith.cmpi sgt, %jit3A_792, %sign3A_801 : i32
        %sign3A_803 = arith.extui %sign3A_802 : i1 to i32
        %sign3A_804 = arith.constant 0 : i32
        %sign3A_805 = arith.cmpi slt, %jit3A_792, %sign3A_804 : i32
        %sign3A_806 = arith.extui %sign3A_805 : i1 to i32
        %sign3A_807 = arith.subi %sign3A_803, %sign3A_806 : i32
        %ne3A_808 = arith.cmpi ne, %sign3A_800, %sign3A_807 : i32
        %rem3A_809 = arith.remsi %add3A_791, %jit3A_792 : i32
        %ne3A_810 = arith.constant 0 : i32
        %ne3A_811 = arith.cmpi ne, %rem3A_809, %ne3A_810 : i32
        %and3A_812 = arith.andi %ne3A_808, %ne3A_811 : i1
        %sub3A_813 = arith.constant 1 : i32
        %sub3A_814 = arith.subi %div3A_793, %sub3A_813 : i32
        %select_n3A_815 = arith.select %and3A_812, %sub3A_814, %div3A_793 : i32
        %mul3A_816 = arith.constant 16 : i32
        %mul3A_817 = arith.muli %select_n3A_815, %mul3A_816 : i32
        %get3A_818 = arith.index_cast %mul3A_817 : i32 to index
        %get3A_819 = tpu.vector_load %arg9[%get3A_818] {strides = array<i32>} : memref<512xi32, #tpu.memory_space<vmem>>, vector<16xi32>,
        %iota3A_820 = tpu.iota {dimensions = array<i32: 0>} : vector<16xi32>
        %jit3A_821 = arith.constant 16 : i32
        %eq3A_822 = arith.constant 0 : i32
        %eq3A_823 = arith.cmpi eq, %jit3A_821, %eq3A_822 : i32
        %jit3A_824 = arith.constant 1 : i32
        %select_n3A_825 = arith.select %eq3A_823, %jit3A_824, %jit3A_821 : i32
        %rem3A_826 = arith.remsi %add3A_791, %select_n3A_825 : i32
        %ne3A_827 = arith.constant 0 : i32
        %ne3A_828 = arith.cmpi ne, %rem3A_826, %ne3A_827 : i32
        %lt3A_829 = arith.constant 0 : i32
        %lt3A_830 = arith.cmpi slt, %rem3A_826, %lt3A_829 : i32
        %lt3A_831 = arith.constant 0 : i32
        %lt3A_832 = arith.cmpi slt, %select_n3A_825, %lt3A_831 : i32
        %ne3A_833 = arith.xori %lt3A_830, %lt3A_832 : i1
        %and3A_834 = arith.andi %ne3A_833, %ne3A_828 : i1
        %add3A_835 = arith.addi %rem3A_826, %select_n3A_825 : i32
        %select_n3A_836 = arith.select %and3A_834, %add3A_835, %rem3A_826 : i32
        %eq3A_837 = vector.broadcast %select_n3A_836 : i32 to vector<16xi32>
        %eq3A_838 = arith.cmpi eq, %iota3A_820, %eq3A_837 : vector<16xi32>
        %jit3A_839 = arith.constant 0 : i32
        %broadcast_in_dim3A_840 = vector.broadcast %jit3A_839 : i32 to vector<16xi32>
        %select_n3A_841 = arith.select %eq3A_838, %get3A_819, %broadcast_in_dim3A_840 : vector<16xi1>, vector<16xi32>
        %reduce_max3A_842 = arith.constant true
        %reduce_max3A_843 = vector.broadcast %reduce_max3A_842 : i1 to vector<16xi1>
        %reduce_max3A_844 = arith.constant -2147483648 : i32
        %reduce_max3A_845 = vector.broadcast %reduce_max3A_844 : i32 to vector<16xi32>
        %reduce_max3A_846 = arith.xori %select_n3A_841, %reduce_max3A_845 : vector<16xi32>
        %reduce_max3A_847 = tpu.scan <max>, %reduce_max3A_846 masked %reduce_max3A_843 : vector<16xi32>, vector<16xi1> -> vector<16xi32>
        %reduce_max3A_848 = arith.xori %reduce_max3A_847, %reduce_max3A_845 : vector<16xi32>
        %reduce_max3A_849 = vector.extract %reduce_max3A_848[15] : i32 from vector<16xi32>
        %shift_right_arithmetic3A_850 = arith.constant 7 : i32
        %shift_right_arithmetic3A_851 = arith.shrsi %reduce_max3A_849, %shift_right_arithmetic3A_850 : i32
        %mul3A_852 = arith.constant 128 : i32
        %mul3A_853 = arith.muli %shift_right_arithmetic3A_851, %mul3A_852 : i32
        %multiple_of3A_854 = tpu.assume_multiple %mul3A_853, 128 : i32
        %jit3A_855 = arith.constant 2 : i32
        %eq3A_856 = arith.constant 0 : i32
        %eq3A_857 = arith.cmpi eq, %jit3A_855, %eq3A_856 : i32
        %jit3A_858 = arith.constant 1 : i32
        %select_n3A_859 = arith.select %eq3A_857, %jit3A_858, %jit3A_855 : i32
        %rem3A_860 = arith.remsi %add3A_791, %select_n3A_859 : i32
        %ne3A_861 = arith.constant 0 : i32
        %ne3A_862 = arith.cmpi ne, %rem3A_860, %ne3A_861 : i32
        %lt3A_863 = arith.constant 0 : i32
        %lt3A_864 = arith.cmpi slt, %rem3A_860, %lt3A_863 : i32
        %lt3A_865 = arith.constant 0 : i32
        %lt3A_866 = arith.cmpi slt, %select_n3A_859, %lt3A_865 : i32
        %ne3A_867 = arith.xori %lt3A_864, %lt3A_866 : i1
        %and3A_868 = arith.andi %ne3A_867, %ne3A_862 : i1
        %add3A_869 = arith.addi %rem3A_860, %select_n3A_859 : i32
        %select_n3A_870 = arith.select %and3A_868, %add3A_869, %rem3A_860 : i32
        %dma_start3A_871 = arith.constant 0 : i32
        %dma_start3A_872 = arith.constant 0 : i32
        %dma_start3A_873 = tpu.memref_slice %arg11[%select_n3A_870, %dma_start3A_871, %dma_start3A_872] : memref<2x64x128xf32, #tpu.memory_space<vmem>> -> memref<1x64x128xf32, #tpu.memory_space<vmem>>
        %dma_start3A_874 = tpu.memref_squeeze %dma_start3A_873 : memref<1x64x128xf32, #tpu.memory_space<vmem>> -> memref<64x128xf32, #tpu.memory_space<vmem>>
        %dma_start3A_875 = arith.constant 0 : i32
        %dma_start3A_876 = tpu.memref_slice %arg5[%dma_start3A_875, %multiple_of3A_854] : memref<64x1000000xf32, #tpu.memory_space<hbm>> -> memref<64x128xf32, #tpu.memory_space<hbm>>
        %dma_start3A_877 = arith.constant 0 : i32
        %dma_start3A_878 = arith.constant 0 : i32
        %dma_start3A_879 = tpu.memref_slice %arg11[%select_n3A_870, %dma_start3A_877, %dma_start3A_878] : memref<2x64x128xf32, #tpu.memory_space<vmem>> -> memref<1x64x128xf32, #tpu.memory_space<vmem>>
        %dma_start3A_880 = tpu.memref_squeeze %dma_start3A_879 : memref<1x64x128xf32, #tpu.memory_space<vmem>> -> memref<64x128xf32, #tpu.memory_space<vmem>>
        %dma_start3A_881 = arith.constant 0 : i32
        %dma_start3A_882 = tpu.memref_slice %arg5[%dma_start3A_881, %multiple_of3A_854] : memref<64x1000000xf32, #tpu.memory_space<hbm>> -> memref<64x128xf32, #tpu.memory_space<hbm>>
        tpu.enqueue_dma source(%dma_start3A_882 : memref<64x128xf32, #tpu.memory_space<hbm>>) target(%dma_start3A_880 : memref<64x128xf32, #tpu.memory_space<vmem>>) target_semaphore(%arg15 : memref<!tpu.dma_semaphore, #tpu.memory_space<semaphore_mem>>)
      } else {
      }
      %jit3A_77 = arith.constant 16 : i32
      %div3A = arith.divsi %scan3A_73, %jit3A_77 : i32
      %sign3A = arith.constant 0 : i32
      %sign3A_78 = arith.cmpi sgt, %scan3A_73, %sign3A : i32
      %sign3A_79 = arith.extui %sign3A_78 : i1 to i32
      %sign3A_80 = arith.constant 0 : i32
      %sign3A_81 = arith.cmpi slt, %scan3A_73, %sign3A_80 : i32
      %sign3A_82 = arith.extui %sign3A_81 : i1 to i32
      %sign3A_83 = arith.subi %sign3A_79, %sign3A_82 : i32
      %sign3A_84 = arith.constant 0 : i32
      %sign3A_85 = arith.cmpi sgt, %jit3A_77, %sign3A_84 : i32
      %sign3A_86 = arith.extui %sign3A_85 : i1 to i32
      %sign3A_87 = arith.constant 0 : i32
      %sign3A_88 = arith.cmpi slt, %jit3A_77, %sign3A_87 : i32
      %sign3A_89 = arith.extui %sign3A_88 : i1 to i32
      %sign3A_90 = arith.subi %sign3A_86, %sign3A_89 : i32
      %ne3A = arith.cmpi ne, %sign3A_83, %sign3A_90 : i32
      %rem3A = arith.remsi %scan3A_73, %jit3A_77 : i32
      %ne3A_91 = arith.constant 0 : i32
      %ne3A_92 = arith.cmpi ne, %rem3A, %ne3A_91 : i32
      %and3A = arith.andi %ne3A, %ne3A_92 : i1
      %sub3A = arith.constant 1 : i32
      %sub3A_93 = arith.subi %div3A, %sub3A : i32
      %select_n3A_94 = arith.select %and3A, %sub3A_93, %div3A : i32
      %mul3A_95 = arith.constant 16 : i32
      %mul3A_96 = arith.muli %select_n3A_94, %mul3A_95 : i32
      %get3A_97 = arith.index_cast %mul3A_96 : i32 to index
      %get3A_98 = tpu.vector_load %arg8[%get3A_97] {strides = array<i32>} : memref<512xi32, #tpu.memory_space<vmem>>, vector<16xi32>,
      %iota3A_99 = tpu.iota {dimensions = array<i32: 0>} : vector<16xi32>
      %jit3A_100 = arith.constant 16 : i32
      %eq3A_101 = arith.constant 0 : i32
      %eq3A_102 = arith.cmpi eq, %jit3A_100, %eq3A_101 : i32
      %jit3A_103 = arith.constant 1 : i32
      %select_n3A_104 = arith.select %eq3A_102, %jit3A_103, %jit3A_100 : i32
      %rem3A_105 = arith.remsi %scan3A_73, %select_n3A_104 : i32
      %ne3A_106 = arith.constant 0 : i32
      %ne3A_107 = arith.cmpi ne, %rem3A_105, %ne3A_106 : i32
      %lt3A_108 = arith.constant 0 : i32
      %lt3A_109 = arith.cmpi slt, %rem3A_105, %lt3A_108 : i32
      %lt3A_110 = arith.constant 0 : i32
      %lt3A_111 = arith.cmpi slt, %select_n3A_104, %lt3A_110 : i32
      %ne3A_112 = arith.xori %lt3A_109, %lt3A_111 : i1
      %and3A_113 = arith.andi %ne3A_112, %ne3A_107 : i1
      %add3A_114 = arith.addi %rem3A_105, %select_n3A_104 : i32
      %select_n3A_115 = arith.select %and3A_113, %add3A_114, %rem3A_105 : i32
      %eq3A_116 = vector.broadcast %select_n3A_115 : i32 to vector<16xi32>
      %eq3A_117 = arith.cmpi eq, %iota3A_99, %eq3A_116 : vector<16xi32>
      %jit3A_118 = arith.constant 0 : i32
      %broadcast_in_dim3A_119 = vector.broadcast %jit3A_118 : i32 to vector<16xi32>
      %select_n3A_120 = arith.select %eq3A_117, %get3A_98, %broadcast_in_dim3A_119 : vector<16xi1>, vector<16xi32>
      %reduce_max3A_121 = arith.constant true
      %reduce_max3A_122 = vector.broadcast %reduce_max3A_121 : i1 to vector<16xi1>
      %reduce_max3A_123 = arith.constant -2147483648 : i32
      %reduce_max3A_124 = vector.broadcast %reduce_max3A_123 : i32 to vector<16xi32>
      %reduce_max3A_125 = arith.xori %select_n3A_120, %reduce_max3A_124 : vector<16xi32>
      %reduce_max3A_126 = tpu.scan <max>, %reduce_max3A_125 masked %reduce_max3A_122 : vector<16xi32>, vector<16xi1> -> vector<16xi32>
      %reduce_max3A_127 = arith.xori %reduce_max3A_126, %reduce_max3A_124 : vector<16xi32>
      %reduce_max3A_128 = vector.extract %reduce_max3A_127[15] : i32 from vector<16xi32>
      %shift_right_arithmetic3A_129 = arith.constant 7 : i32
      %shift_right_arithmetic3A_130 = arith.shrsi %reduce_max3A_128, %shift_right_arithmetic3A_129 : i32
      %mul3A_131 = arith.constant 128 : i32
      %mul3A_132 = arith.muli %shift_right_arithmetic3A_130, %mul3A_131 : i32
      %multiple_of3A_133 = tpu.assume_multiple %mul3A_132, 128 : i32
      %jit3A_134 = arith.constant 2 : i32
      %eq3A_135 = arith.constant 0 : i32
      %eq3A_136 = arith.cmpi eq, %jit3A_134, %eq3A_135 : i32
      %jit3A_137 = arith.constant 1 : i32
      %select_n3A_138 = arith.select %eq3A_136, %jit3A_137, %jit3A_134 : i32
      %rem3A_139 = arith.remsi %scan3A_73, %select_n3A_138 : i32
      %ne3A_140 = arith.constant 0 : i32
      %ne3A_141 = arith.cmpi ne, %rem3A_139, %ne3A_140 : i32
      %lt3A_142 = arith.constant 0 : i32
      %lt3A_143 = arith.cmpi slt, %rem3A_139, %lt3A_142 : i32
      %lt3A_144 = arith.constant 0 : i32
      %lt3A_145 = arith.cmpi slt, %select_n3A_138, %lt3A_144 : i32
      %ne3A_146 = arith.xori %lt3A_143, %lt3A_145 : i1
      %and3A_147 = arith.andi %ne3A_146, %ne3A_141 : i1
      %add3A_148 = arith.addi %rem3A_139, %select_n3A_138 : i32
      %select_n3A_149 = arith.select %and3A_147, %add3A_148, %rem3A_139 : i32
      %dma_wait3A = arith.constant 0 : i32
      %dma_wait3A_150 = arith.constant 0 : i32
      %dma_wait3A_151 = tpu.memref_slice %arg10[%select_n3A_149, %dma_wait3A, %dma_wait3A_150] : memref<2x64x128xf32, #tpu.memory_space<vmem>> -> memref<1x64x128xf32, #tpu.memory_space<vmem>>
      %dma_wait3A_152 = tpu.memref_squeeze %dma_wait3A_151 : memref<1x64x128xf32, #tpu.memory_space<vmem>> -> memref<64x128xf32, #tpu.memory_space<vmem>>
      %dma_wait3A_153 = arith.constant 0 : i32
      %dma_wait3A_154 = tpu.memref_slice %arg4[%dma_wait3A_153, %multiple_of3A_133] : memref<64x1000000xf32, #tpu.memory_space<hbm>> -> memref<64x128xf32, #tpu.memory_space<hbm>>
      %dma_wait3A_155 = arith.constant 0 : i32
      %dma_wait3A_156 = arith.constant 0 : i32
      %dma_wait3A_157 = tpu.memref_slice %arg10[%select_n3A_149, %dma_wait3A_155, %dma_wait3A_156] : memref<2x64x128xf32, #tpu.memory_space<vmem>> -> memref<1x64x128xf32, #tpu.memory_space<vmem>>
      %dma_wait3A_158 = tpu.memref_squeeze %dma_wait3A_157 : memref<1x64x128xf32, #tpu.memory_space<vmem>> -> memref<64x128xf32, #tpu.memory_space<vmem>>
      %dma_wait3A_159 = arith.constant 0 : i32
      %dma_wait3A_160 = tpu.memref_slice %arg4[%dma_wait3A_159, %multiple_of3A_133] : memref<64x1000000xf32, #tpu.memory_space<hbm>> -> memref<64x128xf32, #tpu.memory_space<hbm>>
      tpu.wait_dma2 semaphore(%arg14 : memref<!tpu.dma_semaphore, #tpu.memory_space<semaphore_mem>>) src(%dma_wait3A_160 : memref<64x128xf32, #tpu.memory_space<hbm>>) dst(%dma_wait3A_158 : memref<64x128xf32, #tpu.memory_space<vmem>>)
      %jit3A_161 = arith.constant 16 : i32
      %div3A_162 = arith.divsi %scan3A_73, %jit3A_161 : i32
      %sign3A_163 = arith.constant 0 : i32
      %sign3A_164 = arith.cmpi sgt, %scan3A_73, %sign3A_163 : i32
      %sign3A_165 = arith.extui %sign3A_164 : i1 to i32
      %sign3A_166 = arith.constant 0 : i32
      %sign3A_167 = arith.cmpi slt, %scan3A_73, %sign3A_166 : i32
      %sign3A_168 = arith.extui %sign3A_167 : i1 to i32
      %sign3A_169 = arith.subi %sign3A_165, %sign3A_168 : i32
      %sign3A_170 = arith.constant 0 : i32
      %sign3A_171 = arith.cmpi sgt, %jit3A_161, %sign3A_170 : i32
      %sign3A_172 = arith.extui %sign3A_171 : i1 to i32
      %sign3A_173 = arith.constant 0 : i32
      %sign3A_174 = arith.cmpi slt, %jit3A_161, %sign3A_173 : i32
      %sign3A_175 = arith.extui %sign3A_174 : i1 to i32
      %sign3A_176 = arith.subi %sign3A_172, %sign3A_175 : i32
      %ne3A_177 = arith.cmpi ne, %sign3A_169, %sign3A_176 : i32
      %rem3A_178 = arith.remsi %scan3A_73, %jit3A_161 : i32
      %ne3A_179 = arith.constant 0 : i32
      %ne3A_180 = arith.cmpi ne, %rem3A_178, %ne3A_179 : i32
      %and3A_181 = arith.andi %ne3A_177, %ne3A_180 : i1
      %sub3A_182 = arith.constant 1 : i32
      %sub3A_183 = arith.subi %div3A_162, %sub3A_182 : i32
      %select_n3A_184 = arith.select %and3A_181, %sub3A_183, %div3A_162 : i32
      %mul3A_185 = arith.constant 16 : i32
      %mul3A_186 = arith.muli %select_n3A_184, %mul3A_185 : i32
      %get3A_187 = arith.index_cast %mul3A_186 : i32 to index
      %get3A_188 = tpu.vector_load %arg8[%get3A_187] {strides = array<i32>} : memref<512xi32, #tpu.memory_space<vmem>>, vector<16xi32>,
      %iota3A_189 = tpu.iota {dimensions = array<i32: 0>} : vector<16xi32>
      %jit3A_190 = arith.constant 16 : i32
      %eq3A_191 = arith.constant 0 : i32
      %eq3A_192 = arith.cmpi eq, %jit3A_190, %eq3A_191 : i32
      %jit3A_193 = arith.constant 1 : i32
      %select_n3A_194 = arith.select %eq3A_192, %jit3A_193, %jit3A_190 : i32
      %rem3A_195 = arith.remsi %scan3A_73, %select_n3A_194 : i32
      %ne3A_196 = arith.constant 0 : i32
      %ne3A_197 = arith.cmpi ne, %rem3A_195, %ne3A_196 : i32
      %lt3A_198 = arith.constant 0 : i32
      %lt3A_199 = arith.cmpi slt, %rem3A_195, %lt3A_198 : i32
      %lt3A_200 = arith.constant 0 : i32
      %lt3A_201 = arith.cmpi slt, %select_n3A_194, %lt3A_200 : i32
      %ne3A_202 = arith.xori %lt3A_199, %lt3A_201 : i1
      %and3A_203 = arith.andi %ne3A_202, %ne3A_197 : i1
      %add3A_204 = arith.addi %rem3A_195, %select_n3A_194 : i32
      %select_n3A_205 = arith.select %and3A_203, %add3A_204, %rem3A_195 : i32
      %eq3A_206 = vector.broadcast %select_n3A_205 : i32 to vector<16xi32>
      %eq3A_207 = arith.cmpi eq, %iota3A_189, %eq3A_206 : vector<16xi32>
      %jit3A_208 = arith.constant 0 : i32
      %broadcast_in_dim3A_209 = vector.broadcast %jit3A_208 : i32 to vector<16xi32>
      %select_n3A_210 = arith.select %eq3A_207, %get3A_188, %broadcast_in_dim3A_209 : vector<16xi1>, vector<16xi32>
      %reduce_max3A_211 = arith.constant true
      %reduce_max3A_212 = vector.broadcast %reduce_max3A_211 : i1 to vector<16xi1>
      %reduce_max3A_213 = arith.constant -2147483648 : i32
      %reduce_max3A_214 = vector.broadcast %reduce_max3A_213 : i32 to vector<16xi32>
      %reduce_max3A_215 = arith.xori %select_n3A_210, %reduce_max3A_214 : vector<16xi32>
      %reduce_max3A_216 = tpu.scan <max>, %reduce_max3A_215 masked %reduce_max3A_212 : vector<16xi32>, vector<16xi1> -> vector<16xi32>
      %reduce_max3A_217 = arith.xori %reduce_max3A_216, %reduce_max3A_214 : vector<16xi32>
      %reduce_max3A_218 = vector.extract %reduce_max3A_217[15] : i32 from vector<16xi32>
      %and3A_219 = arith.constant 127 : i32
      %and3A_220 = arith.andi %reduce_max3A_218, %and3A_219 : i32
      %broadcast_in_dim3A_221 = vector.broadcast %and3A_220 : i32 to vector<16xi32>
      %jit3A_222 = arith.constant 2 : i32
      %div3A_223 = arith.divsi %scan3A_73, %jit3A_222 : i32
      %sign3A_224 = arith.constant 0 : i32
      %sign3A_225 = arith.cmpi sgt, %scan3A_73, %sign3A_224 : i32
      %sign3A_226 = arith.extui %sign3A_225 : i1 to i32
      %sign3A_227 = arith.constant 0 : i32
      %sign3A_228 = arith.cmpi slt, %scan3A_73, %sign3A_227 : i32
      %sign3A_229 = arith.extui %sign3A_228 : i1 to i32
      %sign3A_230 = arith.subi %sign3A_226, %sign3A_229 : i32
      %sign3A_231 = arith.constant 0 : i32
      %sign3A_232 = arith.cmpi sgt, %jit3A_222, %sign3A_231 : i32
      %sign3A_233 = arith.extui %sign3A_232 : i1 to i32
      %sign3A_234 = arith.constant 0 : i32
      %sign3A_235 = arith.cmpi slt, %jit3A_222, %sign3A_234 : i32
      %sign3A_236 = arith.extui %sign3A_235 : i1 to i32
      %sign3A_237 = arith.subi %sign3A_233, %sign3A_236 : i32
      %ne3A_238 = arith.cmpi ne, %sign3A_230, %sign3A_237 : i32
      %rem3A_239 = arith.remsi %scan3A_73, %jit3A_222 : i32
      %ne3A_240 = arith.constant 0 : i32
      %ne3A_241 = arith.cmpi ne, %rem3A_239, %ne3A_240 : i32
      %and3A_242 = arith.andi %ne3A_238, %ne3A_241 : i1
      %sub3A_243 = arith.constant 1 : i32
      %sub3A_244 = arith.subi %div3A_223, %sub3A_243 : i32
      %select_n3A_245 = arith.select %and3A_242, %sub3A_244, %div3A_223 : i32
      %jit3A_246 = arith.constant 2 : i32
      %eq3A_247 = arith.constant 0 : i32
      %eq3A_248 = arith.cmpi eq, %jit3A_246, %eq3A_247 : i32
      %jit3A_249 = arith.constant 1 : i32
      %select_n3A_250 = arith.select %eq3A_248, %jit3A_249, %jit3A_246 : i32
      %rem3A_251 = arith.remsi %scan3A_73, %select_n3A_250 : i32
      %ne3A_252 = arith.constant 0 : i32
      %ne3A_253 = arith.cmpi ne, %rem3A_251, %ne3A_252 : i32
      %lt3A_254 = arith.constant 0 : i32
      %lt3A_255 = arith.cmpi slt, %rem3A_251, %lt3A_254 : i32
      %lt3A_256 = arith.constant 0 : i32
      %lt3A_257 = arith.cmpi slt, %select_n3A_250, %lt3A_256 : i32
      %ne3A_258 = arith.xori %lt3A_255, %lt3A_257 : i1
      %and3A_259 = arith.andi %ne3A_258, %ne3A_253 : i1
      %add3A_260 = arith.addi %rem3A_251, %select_n3A_250 : i32
      %select_n3A_261 = arith.select %and3A_259, %add3A_260, %rem3A_251 : i32
      %mul3A_262 = arith.constant 64 : i32
      %mul3A_263 = arith.muli %select_n3A_261, %mul3A_262 : i32
      %iota3A_264 = tpu.iota {dimensions = array<i32: 0>} : vector<16xi32>
      %add3A_265 = arith.constant 0 : i32
      %add3A_266 = vector.broadcast %add3A_265 : i32 to vector<16xi32>
      %add3A_267 = arith.addi %iota3A_264, %add3A_266 : vector<16xi32>
      %jit3A_268 = arith.constant 2 : i32
      %eq3A_269 = arith.constant 0 : i32
      %eq3A_270 = arith.cmpi eq, %jit3A_268, %eq3A_269 : i32
      %jit3A_271 = arith.constant 1 : i32
      %select_n3A_272 = arith.select %eq3A_270, %jit3A_271, %jit3A_268 : i32
      %rem3A_273 = arith.remsi %scan3A_73, %select_n3A_272 : i32
      %ne3A_274 = arith.constant 0 : i32
      %ne3A_275 = arith.cmpi ne, %rem3A_273, %ne3A_274 : i32
      %lt3A_276 = arith.constant 0 : i32
      %lt3A_277 = arith.cmpi slt, %rem3A_273, %lt3A_276 : i32
      %lt3A_278 = arith.constant 0 : i32
      %lt3A_279 = arith.cmpi slt, %select_n3A_272, %lt3A_278 : i32
      %ne3A_280 = arith.xori %lt3A_277, %lt3A_279 : i1
      %and3A_281 = arith.andi %ne3A_280, %ne3A_275 : i1
      %add3A_282 = arith.addi %rem3A_273, %select_n3A_272 : i32
      %select_n3A_283 = arith.select %and3A_281, %add3A_282, %rem3A_273 : i32
      %gather3A = arith.constant 0 : i32
      %gather3A_284 = arith.constant 0 : i32
      %gather3A_285 = tpu.memref_slice %arg10[%select_n3A_283, %gather3A, %gather3A_284] : memref<2x64x128xf32, #tpu.memory_space<vmem>> -> memref<1x64x128xf32, #tpu.memory_space<vmem>>
      %gather3A_286 = tpu.memref_squeeze %gather3A_285 : memref<1x64x128xf32, #tpu.memory_space<vmem>> -> memref<64x128xf32, #tpu.memory_space<vmem>>
      %gather3A_287 = tpu.vector_load_idx %gather3A_286[%add3A_267, %broadcast_in_dim3A_221] : memref<64x128xf32, #tpu.memory_space<vmem>>[vector<16xi32>, vector<16xi32>], vector<16xf32>,
      %add3A_288 = arith.constant 0 : i32
      %add3A_289 = arith.addi %mul3A_263, %add3A_288 : i32
      %swap3A = arith.index_cast %select_n3A_245 : i32 to index
      %swap3A_290 = arith.index_cast %add3A_289 : i32 to index
      %swap3A_291 = tpu.vector_load %arg12[%swap3A, %swap3A_290] {strides = array<i32>} : memref<256x128xf32, #tpu.memory_space<vmem>>, vector<16xf32>,
      tpu.vector_store %arg12[%swap3A, %swap3A_290], %gather3A_287 {strides = array<i32>} : memref<256x128xf32, #tpu.memory_space<vmem>>, vector<16xf32>,
      %iota3A_292 = tpu.iota {dimensions = array<i32: 0>} : vector<16xi32>
      %add3A_293 = arith.constant 16 : i32
      %add3A_294 = vector.broadcast %add3A_293 : i32 to vector<16xi32>
      %add3A_295 = arith.addi %iota3A_292, %add3A_294 : vector<16xi32>
      %jit3A_296 = arith.constant 2 : i32
      %eq3A_297 = arith.constant 0 : i32
      %eq3A_298 = arith.cmpi eq, %jit3A_296, %eq3A_297 : i32
      %jit3A_299 = arith.constant 1 : i32
      %select_n3A_300 = arith.select %eq3A_298, %jit3A_299, %jit3A_296 : i32
      %rem3A_301 = arith.remsi %scan3A_73, %select_n3A_300 : i32
      %ne3A_302 = arith.constant 0 : i32
      %ne3A_303 = arith.cmpi ne, %rem3A_301, %ne3A_302 : i32
      %lt3A_304 = arith.constant 0 : i32
      %lt3A_305 = arith.cmpi slt, %rem3A_301, %lt3A_304 : i32
      %lt3A_306 = arith.constant 0 : i32
      %lt3A_307 = arith.cmpi slt, %select_n3A_300, %lt3A_306 : i32
      %ne3A_308 = arith.xori %lt3A_305, %lt3A_307 : i1
      %and3A_309 = arith.andi %ne3A_308, %ne3A_303 : i1
      %add3A_310 = arith.addi %rem3A_301, %select_n3A_300 : i32
      %select_n3A_311 = arith.select %and3A_309, %add3A_310, %rem3A_301 : i32
      %gather3A_312 = arith.constant 0 : i32
      %gather3A_313 = arith.constant 0 : i32
      %gather3A_314 = tpu.memref_slice %arg10[%select_n3A_311, %gather3A_312, %gather3A_313] : memref<2x64x128xf32, #tpu.memory_space<vmem>> -> memref<1x64x128xf32, #tpu.memory_space<vmem>>
      %gather3A_315 = tpu.memref_squeeze %gather3A_314 : memref<1x64x128xf32, #tpu.memory_space<vmem>> -> memref<64x128xf32, #tpu.memory_space<vmem>>
      %gather3A_316 = tpu.vector_load_idx %gather3A_315[%add3A_295, %broadcast_in_dim3A_221] : memref<64x128xf32, #tpu.memory_space<vmem>>[vector<16xi32>, vector<16xi32>], vector<16xf32>,
      %add3A_317 = arith.constant 16 : i32
      %add3A_318 = arith.addi %mul3A_263, %add3A_317 : i32
      %swap3A_319 = arith.index_cast %select_n3A_245 : i32 to index
      %swap3A_320 = arith.index_cast %add3A_318 : i32 to index
      %swap3A_321 = tpu.vector_load %arg12[%swap3A_319, %swap3A_320] {strides = array<i32>} : memref<256x128xf32, #tpu.memory_space<vmem>>, vector<16xf32>,
      tpu.vector_store %arg12[%swap3A_319, %swap3A_320], %gather3A_316 {strides = array<i32>} : memref<256x128xf32, #tpu.memory_space<vmem>>, vector<16xf32>,
      %iota3A_322 = tpu.iota {dimensions = array<i32: 0>} : vector<16xi32>
      %add3A_323 = arith.constant 32 : i32
      %add3A_324 = vector.broadcast %add3A_323 : i32 to vector<16xi32>
      %add3A_325 = arith.addi %iota3A_322, %add3A_324 : vector<16xi32>
      %jit3A_326 = arith.constant 2 : i32
      %eq3A_327 = arith.constant 0 : i32
      %eq3A_328 = arith.cmpi eq, %jit3A_326, %eq3A_327 : i32
      %jit3A_329 = arith.constant 1 : i32
      %select_n3A_330 = arith.select %eq3A_328, %jit3A_329, %jit3A_326 : i32
      %rem3A_331 = arith.remsi %scan3A_73, %select_n3A_330 : i32
      %ne3A_332 = arith.constant 0 : i32
      %ne3A_333 = arith.cmpi ne, %rem3A_331, %ne3A_332 : i32
      %lt3A_334 = arith.constant 0 : i32
      %lt3A_335 = arith.cmpi slt, %rem3A_331, %lt3A_334 : i32
      %lt3A_336 = arith.constant 0 : i32
      %lt3A_337 = arith.cmpi slt, %select_n3A_330, %lt3A_336 : i32
      %ne3A_338 = arith.xori %lt3A_335, %lt3A_337 : i1
      %and3A_339 = arith.andi %ne3A_338, %ne3A_333 : i1
      %add3A_340 = arith.addi %rem3A_331, %select_n3A_330 : i32
      %select_n3A_341 = arith.select %and3A_339, %add3A_340, %rem3A_331 : i32
      %gather3A_342 = arith.constant 0 : i32
      %gather3A_343 = arith.constant 0 : i32
      %gather3A_344 = tpu.memref_slice %arg10[%select_n3A_341, %gather3A_342, %gather3A_343] : memref<2x64x128xf32, #tpu.memory_space<vmem>> -> memref<1x64x128xf32, #tpu.memory_space<vmem>>
      %gather3A_345 = tpu.memref_squeeze %gather3A_344 : memref<1x64x128xf32, #tpu.memory_space<vmem>> -> memref<64x128xf32, #tpu.memory_space<vmem>>
      %gather3A_346 = tpu.vector_load_idx %gather3A_345[%add3A_325, %broadcast_in_dim3A_221] : memref<64x128xf32, #tpu.memory_space<vmem>>[vector<16xi32>, vector<16xi32>], vector<16xf32>,
      %add3A_347 = arith.constant 32 : i32
      %add3A_348 = arith.addi %mul3A_263, %add3A_347 : i32
      %swap3A_349 = arith.index_cast %select_n3A_245 : i32 to index
      %swap3A_350 = arith.index_cast %add3A_348 : i32 to index
      %swap3A_351 = tpu.vector_load %arg12[%swap3A_349, %swap3A_350] {strides = array<i32>} : memref<256x128xf32, #tpu.memory_space<vmem>>, vector<16xf32>,
      tpu.vector_store %arg12[%swap3A_349, %swap3A_350], %gather3A_346 {strides = array<i32>} : memref<256x128xf32, #tpu.memory_space<vmem>>, vector<16xf32>,
      %iota3A_352 = tpu.iota {dimensions = array<i32: 0>} : vector<16xi32>
      %add3A_353 = arith.constant 48 : i32
      %add3A_354 = vector.broadcast %add3A_353 : i32 to vector<16xi32>
      %add3A_355 = arith.addi %iota3A_352, %add3A_354 : vector<16xi32>
      %jit3A_356 = arith.constant 2 : i32
      %eq3A_357 = arith.constant 0 : i32
      %eq3A_358 = arith.cmpi eq, %jit3A_356, %eq3A_357 : i32
      %jit3A_359 = arith.constant 1 : i32
      %select_n3A_360 = arith.select %eq3A_358, %jit3A_359, %jit3A_356 : i32
      %rem3A_361 = arith.remsi %scan3A_73, %select_n3A_360 : i32
      %ne3A_362 = arith.constant 0 : i32
      %ne3A_363 = arith.cmpi ne, %rem3A_361, %ne3A_362 : i32
      %lt3A_364 = arith.constant 0 : i32
      %lt3A_365 = arith.cmpi slt, %rem3A_361, %lt3A_364 : i32
      %lt3A_366 = arith.constant 0 : i32
      %lt3A_367 = arith.cmpi slt, %select_n3A_360, %lt3A_366 : i32
      %ne3A_368 = arith.xori %lt3A_365, %lt3A_367 : i1
      %and3A_369 = arith.andi %ne3A_368, %ne3A_363 : i1
      %add3A_370 = arith.addi %rem3A_361, %select_n3A_360 : i32
      %select_n3A_371 = arith.select %and3A_369, %add3A_370, %rem3A_361 : i32
      %gather3A_372 = arith.constant 0 : i32
      %gather3A_373 = arith.constant 0 : i32
      %gather3A_374 = tpu.memref_slice %arg10[%select_n3A_371, %gather3A_372, %gather3A_373] : memref<2x64x128xf32, #tpu.memory_space<vmem>> -> memref<1x64x128xf32, #tpu.memory_space<vmem>>
      %gather3A_375 = tpu.memref_squeeze %gather3A_374 : memref<1x64x128xf32, #tpu.memory_space<vmem>> -> memref<64x128xf32, #tpu.memory_space<vmem>>
      %gather3A_376 = tpu.vector_load_idx %gather3A_375[%add3A_355, %broadcast_in_dim3A_221] : memref<64x128xf32, #tpu.memory_space<vmem>>[vector<16xi32>, vector<16xi32>], vector<16xf32>,
      %add3A_377 = arith.constant 48 : i32
      %add3A_378 = arith.addi %mul3A_263, %add3A_377 : i32
      %swap3A_379 = arith.index_cast %select_n3A_245 : i32 to index
      %swap3A_380 = arith.index_cast %add3A_378 : i32 to index
      %swap3A_381 = tpu.vector_load %arg12[%swap3A_379, %swap3A_380] {strides = array<i32>} : memref<256x128xf32, #tpu.memory_space<vmem>>, vector<16xf32>,
      tpu.vector_store %arg12[%swap3A_379, %swap3A_380], %gather3A_376 {strides = array<i32>} : memref<256x128xf32, #tpu.memory_space<vmem>>, vector<16xf32>,
      %jit3A_382 = arith.constant 16 : i32
      %div3A_383 = arith.divsi %scan3A_73, %jit3A_382 : i32
      %sign3A_384 = arith.constant 0 : i32
      %sign3A_385 = arith.cmpi sgt, %scan3A_73, %sign3A_384 : i32
      %sign3A_386 = arith.extui %sign3A_385 : i1 to i32
      %sign3A_387 = arith.constant 0 : i32
      %sign3A_388 = arith.cmpi slt, %scan3A_73, %sign3A_387 : i32
      %sign3A_389 = arith.extui %sign3A_388 : i1 to i32
      %sign3A_390 = arith.subi %sign3A_386, %sign3A_389 : i32
      %sign3A_391 = arith.constant 0 : i32
      %sign3A_392 = arith.cmpi sgt, %jit3A_382, %sign3A_391 : i32
      %sign3A_393 = arith.extui %sign3A_392 : i1 to i32
      %sign3A_394 = arith.constant 0 : i32
      %sign3A_395 = arith.cmpi slt, %jit3A_382, %sign3A_394 : i32
      %sign3A_396 = arith.extui %sign3A_395 : i1 to i32
      %sign3A_397 = arith.subi %sign3A_393, %sign3A_396 : i32
      %ne3A_398 = arith.cmpi ne, %sign3A_390, %sign3A_397 : i32
      %rem3A_399 = arith.remsi %scan3A_73, %jit3A_382 : i32
      %ne3A_400 = arith.constant 0 : i32
      %ne3A_401 = arith.cmpi ne, %rem3A_399, %ne3A_400 : i32
      %and3A_402 = arith.andi %ne3A_398, %ne3A_401 : i1
      %sub3A_403 = arith.constant 1 : i32
      %sub3A_404 = arith.subi %div3A_383, %sub3A_403 : i32
      %select_n3A_405 = arith.select %and3A_402, %sub3A_404, %div3A_383 : i32
      %mul3A_406 = arith.constant 16 : i32
      %mul3A_407 = arith.muli %select_n3A_405, %mul3A_406 : i32
      %get3A_408 = arith.index_cast %mul3A_407 : i32 to index
      %get3A_409 = tpu.vector_load %arg9[%get3A_408] {strides = array<i32>} : memref<512xi32, #tpu.memory_space<vmem>>, vector<16xi32>,
      %iota3A_410 = tpu.iota {dimensions = array<i32: 0>} : vector<16xi32>
      %jit3A_411 = arith.constant 16 : i32
      %eq3A_412 = arith.constant 0 : i32
      %eq3A_413 = arith.cmpi eq, %jit3A_411, %eq3A_412 : i32
      %jit3A_414 = arith.constant 1 : i32
      %select_n3A_415 = arith.select %eq3A_413, %jit3A_414, %jit3A_411 : i32
      %rem3A_416 = arith.remsi %scan3A_73, %select_n3A_415 : i32
      %ne3A_417 = arith.constant 0 : i32
      %ne3A_418 = arith.cmpi ne, %rem3A_416, %ne3A_417 : i32
      %lt3A_419 = arith.constant 0 : i32
      %lt3A_420 = arith.cmpi slt, %rem3A_416, %lt3A_419 : i32
      %lt3A_421 = arith.constant 0 : i32
      %lt3A_422 = arith.cmpi slt, %select_n3A_415, %lt3A_421 : i32
      %ne3A_423 = arith.xori %lt3A_420, %lt3A_422 : i1
      %and3A_424 = arith.andi %ne3A_423, %ne3A_418 : i1
      %add3A_425 = arith.addi %rem3A_416, %select_n3A_415 : i32
      %select_n3A_426 = arith.select %and3A_424, %add3A_425, %rem3A_416 : i32
      %eq3A_427 = vector.broadcast %select_n3A_426 : i32 to vector<16xi32>
      %eq3A_428 = arith.cmpi eq, %iota3A_410, %eq3A_427 : vector<16xi32>
      %jit3A_429 = arith.constant 0 : i32
      %broadcast_in_dim3A_430 = vector.broadcast %jit3A_429 : i32 to vector<16xi32>
      %select_n3A_431 = arith.select %eq3A_428, %get3A_409, %broadcast_in_dim3A_430 : vector<16xi1>, vector<16xi32>
      %reduce_max3A_432 = arith.constant true
      %reduce_max3A_433 = vector.broadcast %reduce_max3A_432 : i1 to vector<16xi1>
      %reduce_max3A_434 = arith.constant -2147483648 : i32
      %reduce_max3A_435 = vector.broadcast %reduce_max3A_434 : i32 to vector<16xi32>
      %reduce_max3A_436 = arith.xori %select_n3A_431, %reduce_max3A_435 : vector<16xi32>
      %reduce_max3A_437 = tpu.scan <max>, %reduce_max3A_436 masked %reduce_max3A_433 : vector<16xi32>, vector<16xi1> -> vector<16xi32>
      %reduce_max3A_438 = arith.xori %reduce_max3A_437, %reduce_max3A_435 : vector<16xi32>
      %reduce_max3A_439 = vector.extract %reduce_max3A_438[15] : i32 from vector<16xi32>
      %shift_right_arithmetic3A_440 = arith.constant 7 : i32
      %shift_right_arithmetic3A_441 = arith.shrsi %reduce_max3A_439, %shift_right_arithmetic3A_440 : i32
      %mul3A_442 = arith.constant 128 : i32
      %mul3A_443 = arith.muli %shift_right_arithmetic3A_441, %mul3A_442 : i32
      %multiple_of3A_444 = tpu.assume_multiple %mul3A_443, 128 : i32
      %jit3A_445 = arith.constant 2 : i32
      %eq3A_446 = arith.constant 0 : i32
      %eq3A_447 = arith.cmpi eq, %jit3A_445, %eq3A_446 : i32
      %jit3A_448 = arith.constant 1 : i32
      %select_n3A_449 = arith.select %eq3A_447, %jit3A_448, %jit3A_445 : i32
      %rem3A_450 = arith.remsi %scan3A_73, %select_n3A_449 : i32
      %ne3A_451 = arith.constant 0 : i32
      %ne3A_452 = arith.cmpi ne, %rem3A_450, %ne3A_451 : i32
      %lt3A_453 = arith.constant 0 : i32
      %lt3A_454 = arith.cmpi slt, %rem3A_450, %lt3A_453 : i32
      %lt3A_455 = arith.constant 0 : i32
      %lt3A_456 = arith.cmpi slt, %select_n3A_449, %lt3A_455 : i32
      %ne3A_457 = arith.xori %lt3A_454, %lt3A_456 : i1
      %and3A_458 = arith.andi %ne3A_457, %ne3A_452 : i1
      %add3A_459 = arith.addi %rem3A_450, %select_n3A_449 : i32
      %select_n3A_460 = arith.select %and3A_458, %add3A_459, %rem3A_450 : i32
      %dma_wait3A_461 = arith.constant 0 : i32
      %dma_wait3A_462 = arith.constant 0 : i32
      %dma_wait3A_463 = tpu.memref_slice %arg11[%select_n3A_460, %dma_wait3A_461, %dma_wait3A_462] : memref<2x64x128xf32, #tpu.memory_space<vmem>> -> memref<1x64x128xf32, #tpu.memory_space<vmem>>
      %dma_wait3A_464 = tpu.memref_squeeze %dma_wait3A_463 : memref<1x64x128xf32, #tpu.memory_space<vmem>> -> memref<64x128xf32, #tpu.memory_space<vmem>>
      %dma_wait3A_465 = arith.constant 0 : i32
      %dma_wait3A_466 = tpu.memref_slice %arg5[%dma_wait3A_465, %multiple_of3A_444] : memref<64x1000000xf32, #tpu.memory_space<hbm>> -> memref<64x128xf32, #tpu.memory_space<hbm>>
      %dma_wait3A_467 = arith.constant 0 : i32
      %dma_wait3A_468 = arith.constant 0 : i32
      %dma_wait3A_469 = tpu.memref_slice %arg11[%select_n3A_460, %dma_wait3A_467, %dma_wait3A_468] : memref<2x64x128xf32, #tpu.memory_space<vmem>> -> memref<1x64x128xf32, #tpu.memory_space<vmem>>
      %dma_wait3A_470 = tpu.memref_squeeze %dma_wait3A_469 : memref<1x64x128xf32, #tpu.memory_space<vmem>> -> memref<64x128xf32, #tpu.memory_space<vmem>>
      %dma_wait3A_471 = arith.constant 0 : i32
      %dma_wait3A_472 = tpu.memref_slice %arg5[%dma_wait3A_471, %multiple_of3A_444] : memref<64x1000000xf32, #tpu.memory_space<hbm>> -> memref<64x128xf32, #tpu.memory_space<hbm>>
      tpu.wait_dma2 semaphore(%arg15 : memref<!tpu.dma_semaphore, #tpu.memory_space<semaphore_mem>>) src(%dma_wait3A_472 : memref<64x128xf32, #tpu.memory_space<hbm>>) dst(%dma_wait3A_470 : memref<64x128xf32, #tpu.memory_space<vmem>>)
      %jit3A_473 = arith.constant 16 : i32
      %div3A_474 = arith.divsi %scan3A_73, %jit3A_473 : i32
      %sign3A_475 = arith.constant 0 : i32
      %sign3A_476 = arith.cmpi sgt, %scan3A_73, %sign3A_475 : i32
      %sign3A_477 = arith.extui %sign3A_476 : i1 to i32
      %sign3A_478 = arith.constant 0 : i32
      %sign3A_479 = arith.cmpi slt, %scan3A_73, %sign3A_478 : i32
      %sign3A_480 = arith.extui %sign3A_479 : i1 to i32
      %sign3A_481 = arith.subi %sign3A_477, %sign3A_480 : i32
      %sign3A_482 = arith.constant 0 : i32
      %sign3A_483 = arith.cmpi sgt, %jit3A_473, %sign3A_482 : i32
      %sign3A_484 = arith.extui %sign3A_483 : i1 to i32
      %sign3A_485 = arith.constant 0 : i32
      %sign3A_486 = arith.cmpi slt, %jit3A_473, %sign3A_485 : i32
      %sign3A_487 = arith.extui %sign3A_486 : i1 to i32
      %sign3A_488 = arith.subi %sign3A_484, %sign3A_487 : i32
      %ne3A_489 = arith.cmpi ne, %sign3A_481, %sign3A_488 : i32
      %rem3A_490 = arith.remsi %scan3A_73, %jit3A_473 : i32
      %ne3A_491 = arith.constant 0 : i32
      %ne3A_492 = arith.cmpi ne, %rem3A_490, %ne3A_491 : i32
      %and3A_493 = arith.andi %ne3A_489, %ne3A_492 : i1
      %sub3A_494 = arith.constant 1 : i32
      %sub3A_495 = arith.subi %div3A_474, %sub3A_494 : i32
      %select_n3A_496 = arith.select %and3A_493, %sub3A_495, %div3A_474 : i32
      %mul3A_497 = arith.constant 16 : i32
      %mul3A_498 = arith.muli %select_n3A_496, %mul3A_497 : i32
      %get3A_499 = arith.index_cast %mul3A_498 : i32 to index
      %get3A_500 = tpu.vector_load %arg9[%get3A_499] {strides = array<i32>} : memref<512xi32, #tpu.memory_space<vmem>>, vector<16xi32>,
      %iota3A_501 = tpu.iota {dimensions = array<i32: 0>} : vector<16xi32>
      %jit3A_502 = arith.constant 16 : i32
      %eq3A_503 = arith.constant 0 : i32
      %eq3A_504 = arith.cmpi eq, %jit3A_502, %eq3A_503 : i32
      %jit3A_505 = arith.constant 1 : i32
      %select_n3A_506 = arith.select %eq3A_504, %jit3A_505, %jit3A_502 : i32
      %rem3A_507 = arith.remsi %scan3A_73, %select_n3A_506 : i32
      %ne3A_508 = arith.constant 0 : i32
      %ne3A_509 = arith.cmpi ne, %rem3A_507, %ne3A_508 : i32
      %lt3A_510 = arith.constant 0 : i32
      %lt3A_511 = arith.cmpi slt, %rem3A_507, %lt3A_510 : i32
      %lt3A_512 = arith.constant 0 : i32
      %lt3A_513 = arith.cmpi slt, %select_n3A_506, %lt3A_512 : i32
      %ne3A_514 = arith.xori %lt3A_511, %lt3A_513 : i1
      %and3A_515 = arith.andi %ne3A_514, %ne3A_509 : i1
      %add3A_516 = arith.addi %rem3A_507, %select_n3A_506 : i32
      %select_n3A_517 = arith.select %and3A_515, %add3A_516, %rem3A_507 : i32
      %eq3A_518 = vector.broadcast %select_n3A_517 : i32 to vector<16xi32>
      %eq3A_519 = arith.cmpi eq, %iota3A_501, %eq3A_518 : vector<16xi32>
      %jit3A_520 = arith.constant 0 : i32
      %broadcast_in_dim3A_521 = vector.broadcast %jit3A_520 : i32 to vector<16xi32>
      %select_n3A_522 = arith.select %eq3A_519, %get3A_500, %broadcast_in_dim3A_521 : vector<16xi1>, vector<16xi32>
      %reduce_max3A_523 = arith.constant true
      %reduce_max3A_524 = vector.broadcast %reduce_max3A_523 : i1 to vector<16xi1>
      %reduce_max3A_525 = arith.constant -2147483648 : i32
      %reduce_max3A_526 = vector.broadcast %reduce_max3A_525 : i32 to vector<16xi32>
      %reduce_max3A_527 = arith.xori %select_n3A_522, %reduce_max3A_526 : vector<16xi32>
      %reduce_max3A_528 = tpu.scan <max>, %reduce_max3A_527 masked %reduce_max3A_524 : vector<16xi32>, vector<16xi1> -> vector<16xi32>
      %reduce_max3A_529 = arith.xori %reduce_max3A_528, %reduce_max3A_526 : vector<16xi32>
      %reduce_max3A_530 = vector.extract %reduce_max3A_529[15] : i32 from vector<16xi32>
      %and3A_531 = arith.constant 127 : i32
      %and3A_532 = arith.andi %reduce_max3A_530, %and3A_531 : i32
      %broadcast_in_dim3A_533 = vector.broadcast %and3A_532 : i32 to vector<16xi32>
      %jit3A_534 = arith.constant 2 : i32
      %div3A_535 = arith.divsi %scan3A_73, %jit3A_534 : i32
      %sign3A_536 = arith.constant 0 : i32
      %sign3A_537 = arith.cmpi sgt, %scan3A_73, %sign3A_536 : i32
      %sign3A_538 = arith.extui %sign3A_537 : i1 to i32
      %sign3A_539 = arith.constant 0 : i32
      %sign3A_540 = arith.cmpi slt, %scan3A_73, %sign3A_539 : i32
      %sign3A_541 = arith.extui %sign3A_540 : i1 to i32
      %sign3A_542 = arith.subi %sign3A_538, %sign3A_541 : i32
      %sign3A_543 = arith.constant 0 : i32
      %sign3A_544 = arith.cmpi sgt, %jit3A_534, %sign3A_543 : i32
      %sign3A_545 = arith.extui %sign3A_544 : i1 to i32
      %sign3A_546 = arith.constant 0 : i32
      %sign3A_547 = arith.cmpi slt, %jit3A_534, %sign3A_546 : i32
      %sign3A_548 = arith.extui %sign3A_547 : i1 to i32
      %sign3A_549 = arith.subi %sign3A_545, %sign3A_548 : i32
      %ne3A_550 = arith.cmpi ne, %sign3A_542, %sign3A_549 : i32
      %rem3A_551 = arith.remsi %scan3A_73, %jit3A_534 : i32
      %ne3A_552 = arith.constant 0 : i32
      %ne3A_553 = arith.cmpi ne, %rem3A_551, %ne3A_552 : i32
      %and3A_554 = arith.andi %ne3A_550, %ne3A_553 : i1
      %sub3A_555 = arith.constant 1 : i32
      %sub3A_556 = arith.subi %div3A_535, %sub3A_555 : i32
      %select_n3A_557 = arith.select %and3A_554, %sub3A_556, %div3A_535 : i32
      %jit3A_558 = arith.constant 2 : i32
      %eq3A_559 = arith.constant 0 : i32
      %eq3A_560 = arith.cmpi eq, %jit3A_558, %eq3A_559 : i32
      %jit3A_561 = arith.constant 1 : i32
      %select_n3A_562 = arith.select %eq3A_560, %jit3A_561, %jit3A_558 : i32
      %rem3A_563 = arith.remsi %scan3A_73, %select_n3A_562 : i32
      %ne3A_564 = arith.constant 0 : i32
      %ne3A_565 = arith.cmpi ne, %rem3A_563, %ne3A_564 : i32
      %lt3A_566 = arith.constant 0 : i32
      %lt3A_567 = arith.cmpi slt, %rem3A_563, %lt3A_566 : i32
      %lt3A_568 = arith.constant 0 : i32
      %lt3A_569 = arith.cmpi slt, %select_n3A_562, %lt3A_568 : i32
      %ne3A_570 = arith.xori %lt3A_567, %lt3A_569 : i1
      %and3A_571 = arith.andi %ne3A_570, %ne3A_565 : i1
      %add3A_572 = arith.addi %rem3A_563, %select_n3A_562 : i32
      %select_n3A_573 = arith.select %and3A_571, %add3A_572, %rem3A_563 : i32
      %mul3A_574 = arith.constant 64 : i32
      %mul3A_575 = arith.muli %select_n3A_573, %mul3A_574 : i32
      %iota3A_576 = tpu.iota {dimensions = array<i32: 0>} : vector<16xi32>
      %add3A_577 = arith.constant 0 : i32
      %add3A_578 = vector.broadcast %add3A_577 : i32 to vector<16xi32>
      %add3A_579 = arith.addi %iota3A_576, %add3A_578 : vector<16xi32>
      %jit3A_580 = arith.constant 2 : i32
      %eq3A_581 = arith.constant 0 : i32
      %eq3A_582 = arith.cmpi eq, %jit3A_580, %eq3A_581 : i32
      %jit3A_583 = arith.constant 1 : i32
      %select_n3A_584 = arith.select %eq3A_582, %jit3A_583, %jit3A_580 : i32
      %rem3A_585 = arith.remsi %scan3A_73, %select_n3A_584 : i32
      %ne3A_586 = arith.constant 0 : i32
      %ne3A_587 = arith.cmpi ne, %rem3A_585, %ne3A_586 : i32
      %lt3A_588 = arith.constant 0 : i32
      %lt3A_589 = arith.cmpi slt, %rem3A_585, %lt3A_588 : i32
      %lt3A_590 = arith.constant 0 : i32
      %lt3A_591 = arith.cmpi slt, %select_n3A_584, %lt3A_590 : i32
      %ne3A_592 = arith.xori %lt3A_589, %lt3A_591 : i1
      %and3A_593 = arith.andi %ne3A_592, %ne3A_587 : i1
      %add3A_594 = arith.addi %rem3A_585, %select_n3A_584 : i32
      %select_n3A_595 = arith.select %and3A_593, %add3A_594, %rem3A_585 : i32
      %gather3A_596 = arith.constant 0 : i32
      %gather3A_597 = arith.constant 0 : i32
      %gather3A_598 = tpu.memref_slice %arg11[%select_n3A_595, %gather3A_596, %gather3A_597] : memref<2x64x128xf32, #tpu.memory_space<vmem>> -> memref<1x64x128xf32, #tpu.memory_space<vmem>>
      %gather3A_599 = tpu.memref_squeeze %gather3A_598 : memref<1x64x128xf32, #tpu.memory_space<vmem>> -> memref<64x128xf32, #tpu.memory_space<vmem>>
      %gather3A_600 = tpu.vector_load_idx %gather3A_599[%add3A_579, %broadcast_in_dim3A_533] : memref<64x128xf32, #tpu.memory_space<vmem>>[vector<16xi32>, vector<16xi32>], vector<16xf32>,
      %add3A_601 = arith.constant 0 : i32
      %add3A_602 = arith.addi %mul3A_575, %add3A_601 : i32
      %swap3A_603 = arith.index_cast %select_n3A_557 : i32 to index
      %swap3A_604 = arith.index_cast %add3A_602 : i32 to index
      %swap3A_605 = tpu.vector_load %arg13[%swap3A_603, %swap3A_604] {strides = array<i32>} : memref<256x128xf32, #tpu.memory_space<vmem>>, vector<16xf32>,
      tpu.vector_store %arg13[%swap3A_603, %swap3A_604], %gather3A_600 {strides = array<i32>} : memref<256x128xf32, #tpu.memory_space<vmem>>, vector<16xf32>,
      %iota3A_606 = tpu.iota {dimensions = array<i32: 0>} : vector<16xi32>
      %add3A_607 = arith.constant 16 : i32
      %add3A_608 = vector.broadcast %add3A_607 : i32 to vector<16xi32>
      %add3A_609 = arith.addi %iota3A_606, %add3A_608 : vector<16xi32>
      %jit3A_610 = arith.constant 2 : i32
      %eq3A_611 = arith.constant 0 : i32
      %eq3A_612 = arith.cmpi eq, %jit3A_610, %eq3A_611 : i32
      %jit3A_613 = arith.constant 1 : i32
      %select_n3A_614 = arith.select %eq3A_612, %jit3A_613, %jit3A_610 : i32
      %rem3A_615 = arith.remsi %scan3A_73, %select_n3A_614 : i32
      %ne3A_616 = arith.constant 0 : i32
      %ne3A_617 = arith.cmpi ne, %rem3A_615, %ne3A_616 : i32
      %lt3A_618 = arith.constant 0 : i32
      %lt3A_619 = arith.cmpi slt, %rem3A_615, %lt3A_618 : i32
      %lt3A_620 = arith.constant 0 : i32
      %lt3A_621 = arith.cmpi slt, %select_n3A_614, %lt3A_620 : i32
      %ne3A_622 = arith.xori %lt3A_619, %lt3A_621 : i1
      %and3A_623 = arith.andi %ne3A_622, %ne3A_617 : i1
      %add3A_624 = arith.addi %rem3A_615, %select_n3A_614 : i32
      %select_n3A_625 = arith.select %and3A_623, %add3A_624, %rem3A_615 : i32
      %gather3A_626 = arith.constant 0 : i32
      %gather3A_627 = arith.constant 0 : i32
      %gather3A_628 = tpu.memref_slice %arg11[%select_n3A_625, %gather3A_626, %gather3A_627] : memref<2x64x128xf32, #tpu.memory_space<vmem>> -> memref<1x64x128xf32, #tpu.memory_space<vmem>>
      %gather3A_629 = tpu.memref_squeeze %gather3A_628 : memref<1x64x128xf32, #tpu.memory_space<vmem>> -> memref<64x128xf32, #tpu.memory_space<vmem>>
      %gather3A_630 = tpu.vector_load_idx %gather3A_629[%add3A_609, %broadcast_in_dim3A_533] : memref<64x128xf32, #tpu.memory_space<vmem>>[vector<16xi32>, vector<16xi32>], vector<16xf32>,
      %add3A_631 = arith.constant 16 : i32
      %add3A_632 = arith.addi %mul3A_575, %add3A_631 : i32
      %swap3A_633 = arith.index_cast %select_n3A_557 : i32 to index
      %swap3A_634 = arith.index_cast %add3A_632 : i32 to index
      %swap3A_635 = tpu.vector_load %arg13[%swap3A_633, %swap3A_634] {strides = array<i32>} : memref<256x128xf32, #tpu.memory_space<vmem>>, vector<16xf32>,
      tpu.vector_store %arg13[%swap3A_633, %swap3A_634], %gather3A_630 {strides = array<i32>} : memref<256x128xf32, #tpu.memory_space<vmem>>, vector<16xf32>,
      %iota3A_636 = tpu.iota {dimensions = array<i32: 0>} : vector<16xi32>
      %add3A_637 = arith.constant 32 : i32
      %add3A_638 = vector.broadcast %add3A_637 : i32 to vector<16xi32>
      %add3A_639 = arith.addi %iota3A_636, %add3A_638 : vector<16xi32>
      %jit3A_640 = arith.constant 2 : i32
      %eq3A_641 = arith.constant 0 : i32
      %eq3A_642 = arith.cmpi eq, %jit3A_640, %eq3A_641 : i32
      %jit3A_643 = arith.constant 1 : i32
      %select_n3A_644 = arith.select %eq3A_642, %jit3A_643, %jit3A_640 : i32
      %rem3A_645 = arith.remsi %scan3A_73, %select_n3A_644 : i32
      %ne3A_646 = arith.constant 0 : i32
      %ne3A_647 = arith.cmpi ne, %rem3A_645, %ne3A_646 : i32
      %lt3A_648 = arith.constant 0 : i32
      %lt3A_649 = arith.cmpi slt, %rem3A_645, %lt3A_648 : i32
      %lt3A_650 = arith.constant 0 : i32
      %lt3A_651 = arith.cmpi slt, %select_n3A_644, %lt3A_650 : i32
      %ne3A_652 = arith.xori %lt3A_649, %lt3A_651 : i1
      %and3A_653 = arith.andi %ne3A_652, %ne3A_647 : i1
      %add3A_654 = arith.addi %rem3A_645, %select_n3A_644 : i32
      %select_n3A_655 = arith.select %and3A_653, %add3A_654, %rem3A_645 : i32
      %gather3A_656 = arith.constant 0 : i32
      %gather3A_657 = arith.constant 0 : i32
      %gather3A_658 = tpu.memref_slice %arg11[%select_n3A_655, %gather3A_656, %gather3A_657] : memref<2x64x128xf32, #tpu.memory_space<vmem>> -> memref<1x64x128xf32, #tpu.memory_space<vmem>>
      %gather3A_659 = tpu.memref_squeeze %gather3A_658 : memref<1x64x128xf32, #tpu.memory_space<vmem>> -> memref<64x128xf32, #tpu.memory_space<vmem>>
      %gather3A_660 = tpu.vector_load_idx %gather3A_659[%add3A_639, %broadcast_in_dim3A_533] : memref<64x128xf32, #tpu.memory_space<vmem>>[vector<16xi32>, vector<16xi32>], vector<16xf32>,
      %add3A_661 = arith.constant 32 : i32
      %add3A_662 = arith.addi %mul3A_575, %add3A_661 : i32
      %swap3A_663 = arith.index_cast %select_n3A_557 : i32 to index
      %swap3A_664 = arith.index_cast %add3A_662 : i32 to index
      %swap3A_665 = tpu.vector_load %arg13[%swap3A_663, %swap3A_664] {strides = array<i32>} : memref<256x128xf32, #tpu.memory_space<vmem>>, vector<16xf32>,
      tpu.vector_store %arg13[%swap3A_663, %swap3A_664], %gather3A_660 {strides = array<i32>} : memref<256x128xf32, #tpu.memory_space<vmem>>, vector<16xf32>,
      %iota3A_666 = tpu.iota {dimensions = array<i32: 0>} : vector<16xi32>
      %add3A_667 = arith.constant 48 : i32
      %add3A_668 = vector.broadcast %add3A_667 : i32 to vector<16xi32>
      %add3A_669 = arith.addi %iota3A_666, %add3A_668 : vector<16xi32>
      %jit3A_670 = arith.constant 2 : i32
      %eq3A_671 = arith.constant 0 : i32
      %eq3A_672 = arith.cmpi eq, %jit3A_670, %eq3A_671 : i32
      %jit3A_673 = arith.constant 1 : i32
      %select_n3A_674 = arith.select %eq3A_672, %jit3A_673, %jit3A_670 : i32
      %rem3A_675 = arith.remsi %scan3A_73, %select_n3A_674 : i32
      %ne3A_676 = arith.constant 0 : i32
      %ne3A_677 = arith.cmpi ne, %rem3A_675, %ne3A_676 : i32
      %lt3A_678 = arith.constant 0 : i32
      %lt3A_679 = arith.cmpi slt, %rem3A_675, %lt3A_678 : i32
      %lt3A_680 = arith.constant 0 : i32
      %lt3A_681 = arith.cmpi slt, %select_n3A_674, %lt3A_680 : i32
      %ne3A_682 = arith.xori %lt3A_679, %lt3A_681 : i1
      %and3A_683 = arith.andi %ne3A_682, %ne3A_677 : i1
      %add3A_684 = arith.addi %rem3A_675, %select_n3A_674 : i32
      %select_n3A_685 = arith.select %and3A_683, %add3A_684, %rem3A_675 : i32
      %gather3A_686 = arith.constant 0 : i32
      %gather3A_687 = arith.constant 0 : i32
      %gather3A_688 = tpu.memref_slice %arg11[%select_n3A_685, %gather3A_686, %gather3A_687] : memref<2x64x128xf32, #tpu.memory_space<vmem>> -> memref<1x64x128xf32, #tpu.memory_space<vmem>>
      %gather3A_689 = tpu.memref_squeeze %gather3A_688 : memref<1x64x128xf32, #tpu.memory_space<vmem>> -> memref<64x128xf32, #tpu.memory_space<vmem>>
      %gather3A_690 = tpu.vector_load_idx %gather3A_689[%add3A_669, %broadcast_in_dim3A_533] : memref<64x128xf32, #tpu.memory_space<vmem>>[vector<16xi32>, vector<16xi32>], vector<16xf32>,
      %add3A_691 = arith.constant 48 : i32
      %add3A_692 = arith.addi %mul3A_575, %add3A_691 : i32
      %swap3A_693 = arith.index_cast %select_n3A_557 : i32 to index
      %swap3A_694 = arith.index_cast %add3A_692 : i32 to index
      %swap3A_695 = tpu.vector_load %arg13[%swap3A_693, %swap3A_694] {strides = array<i32>} : memref<256x128xf32, #tpu.memory_space<vmem>>, vector<16xf32>,
      tpu.vector_store %arg13[%swap3A_693, %swap3A_694], %gather3A_690 {strides = array<i32>} : memref<256x128xf32, #tpu.memory_space<vmem>>, vector<16xf32>,
      %scan3A_696 = arith.constant 0 : i32
      scf.yield %scan3A_696 : i32
    }
    %scan3A_68 = arith.constant 512 : i32
    %mul3A_69 = arith.constant 256 : i32
    %mul3A_70 = arith.muli %add3A, %mul3A_69 : i32
    "tpu.region"() ({
      %run_scoped3A = tpu.sem_alloc : memref<!tpu.dma_semaphore, #tpu.memory_space<semaphore_mem>>
      %dma_start3A_73 = arith.constant 0 : i32
      %dma_start3A_74 = tpu.memref_slice %arg6[%mul3A_70, %dma_start3A_73] : memref<8192x128xf32, #tpu.memory_space<hbm>> -> memref<256x128xf32, #tpu.memory_space<hbm>>
      %dma_start3A_75 = arith.constant 0 : i32
      %dma_start3A_76 = tpu.memref_slice %arg6[%mul3A_70, %dma_start3A_75] : memref<8192x128xf32, #tpu.memory_space<hbm>> -> memref<256x128xf32, #tpu.memory_space<hbm>>
      tpu.enqueue_dma source(%arg12 : memref<256x128xf32, #tpu.memory_space<vmem>>) target(%dma_start3A_76 : memref<256x128xf32, #tpu.memory_space<hbm>>) target_semaphore(%run_scoped3A : memref<!tpu.dma_semaphore, #tpu.memory_space<semaphore_mem>>)
      %dma_wait3A = arith.constant 0 : i32
      %dma_wait3A_77 = tpu.memref_slice %arg6[%mul3A_70, %dma_wait3A] : memref<8192x128xf32, #tpu.memory_space<hbm>> -> memref<256x128xf32, #tpu.memory_space<hbm>>
      %dma_wait3A_78 = arith.constant 0 : i32
      %dma_wait3A_79 = tpu.memref_slice %arg6[%mul3A_70, %dma_wait3A_78] : memref<8192x128xf32, #tpu.memory_space<hbm>> -> memref<256x128xf32, #tpu.memory_space<hbm>>
      tpu.wait_dma2 semaphore(%run_scoped3A : memref<!tpu.dma_semaphore, #tpu.memory_space<semaphore_mem>>) src(%arg12 : memref<256x128xf32, #tpu.memory_space<vmem>>) dst(%dma_wait3A_79 : memref<256x128xf32, #tpu.memory_space<hbm>>)
      tpu.yield
    }) : () -> ()
    %mul3A_71 = arith.constant 256 : i32
    %mul3A_72 = arith.muli %add3A, %mul3A_71 : i32
    "tpu.region"() ({
      %run_scoped3A = tpu.sem_alloc : memref<!tpu.dma_semaphore, #tpu.memory_space<semaphore_mem>>
      %dma_start3A_73 = arith.constant 0 : i32
      %dma_start3A_74 = tpu.memref_slice %arg7[%mul3A_72, %dma_start3A_73] : memref<8192x128xf32, #tpu.memory_space<hbm>> -> memref<256x128xf32, #tpu.memory_space<hbm>>
      %dma_start3A_75 = arith.constant 0 : i32
      %dma_start3A_76 = tpu.memref_slice %arg7[%mul3A_72, %dma_start3A_75] : memref<8192x128xf32, #tpu.memory_space<hbm>> -> memref<256x128xf32, #tpu.memory_space<hbm>>
      tpu.enqueue_dma source(%arg13 : memref<256x128xf32, #tpu.memory_space<vmem>>) target(%dma_start3A_76 : memref<256x128xf32, #tpu.memory_space<hbm>>) target_semaphore(%run_scoped3A : memref<!tpu.dma_semaphore, #tpu.memory_space<semaphore_mem>>)
      %dma_wait3A = arith.constant 0 : i32
      %dma_wait3A_77 = tpu.memref_slice %arg7[%mul3A_72, %dma_wait3A] : memref<8192x128xf32, #tpu.memory_space<hbm>> -> memref<256x128xf32, #tpu.memory_space<hbm>>
      %dma_wait3A_78 = arith.constant 0 : i32
      %dma_wait3A_79 = tpu.memref_slice %arg7[%mul3A_72, %dma_wait3A_78] : memref<8192x128xf32, #tpu.memory_space<hbm>> -> memref<256x128xf32, #tpu.memory_space<hbm>>
      tpu.wait_dma2 semaphore(%run_scoped3A : memref<!tpu.dma_semaphore, #tpu.memory_space<semaphore_mem>>) src(%arg13 : memref<256x128xf32, #tpu.memory_space<vmem>>) dst(%dma_wait3A_79 : memref<256x128xf32, #tpu.memory_space<hbm>>)
      tpu.yield
    }) : () -> ()
    return
  }
}

module attributes {stable_mosaic.version = 14 : i64} {
  func.func @_mlp_body(%arg0: i32, %arg1: memref<1024x128xf32, #tpu.memory_space<vmem>>, %arg2: memref<1024x128xf32, #tpu.memory_space<vmem>>, %arg3: memref<128x128xf32, #tpu.memory_space<vmem>>, %arg4: memref<128x128xf32, #tpu.memory_space<vmem>>, %arg5: memref<128x128xf32, #tpu.memory_space<vmem>>, %arg6: memref<128x128xf32, #tpu.memory_space<vmem>>, %arg7: memref<1x128xf32, #tpu.memory_space<vmem>>, %arg8: memref<128x1xf32, #tpu.memory_space<vmem>>, %arg9: memref<1x1xf32, #tpu.memory_space<vmem>>, %arg10: memref<1024x1xf32, #tpu.memory_space<vmem>>, %arg11: memref<1024x1xf32, #tpu.memory_space<vmem>>) attributes {dimension_semantics = [#tpu.dimension_semantics<arbitrary>], iteration_bounds = array<i64: 8>, scalar_prefetch = 0 : i64, scratch_operands = 0 : i64, tpu.core_type = #tpu.core_type<tc>, window_params = [{transform_indices = @transform_0, window_bounds = array<i64: 1024, 128>}, {transform_indices = @transform_1, window_bounds = array<i64: 1024, 128>}, {pipeline_mode = #tpu.pipeline_mode<synchronous>, transform_indices = @transform_2, window_bounds = array<i64: 128, 128>}, {pipeline_mode = #tpu.pipeline_mode<synchronous>, transform_indices = @transform_3, window_bounds = array<i64: 128, 128>}, {pipeline_mode = #tpu.pipeline_mode<synchronous>, transform_indices = @transform_4, window_bounds = array<i64: 128, 128>}, {pipeline_mode = #tpu.pipeline_mode<synchronous>, transform_indices = @transform_5, window_bounds = array<i64: 128, 128>}, {pipeline_mode = #tpu.pipeline_mode<synchronous>, transform_indices = @transform_6, window_bounds = array<i64: 1, 128>}, {pipeline_mode = #tpu.pipeline_mode<synchronous>, transform_indices = @transform_7, window_bounds = array<i64: 128, 1>}, {pipeline_mode = #tpu.pipeline_mode<synchronous>, transform_indices = @transform_8, window_bounds = array<i64: 1, 1>}, {transform_indices = @transform_9, window_bounds = array<i64: 1024, 1>}, {transform_indices = @transform_10, window_bounds = array<i64: 1024, 1>}]} {
    %get3A = arith.constant 0 : index
    %get3A_0 = arith.constant 0 : index
    %get3A_1 = vector.load %arg1[%get3A, %get3A_0] : memref<1024x128xf32, #tpu.memory_space<vmem>>, vector<1024x128xf32>
    %get3A_2 = arith.constant 0 : index
    %get3A_3 = arith.constant 0 : index
    %get3A_4 = vector.load %arg2[%get3A_2, %get3A_3] : memref<1024x128xf32, #tpu.memory_space<vmem>>, vector<1024x128xf32>
    %get3A_5 = arith.constant 0 : index
    %get3A_6 = arith.constant 0 : index
    %get3A_7 = vector.load %arg3[%get3A_5, %get3A_6] : memref<128x128xf32, #tpu.memory_space<vmem>>, vector<128x128xf32>
    %dot_general3A = arith.constant dense<0.000000e+00> : vector<1024x128xf32>
    %dot_general3A_8 = tpu.matmul %get3A_1, %get3A_7, %dot_general3A {dimension_numbers = #tpu.dot_dimension_numbers<[1], [0], [0], [1], [0, 0, 1, 1], [], []>, transpose_lhs_hint = false} : vector<1024x128xf32>, vector<128x128xf32>, vector<1024x128xf32> -> vector<1024x128xf32>
    %get3A_9 = arith.constant 0 : index
    %get3A_10 = arith.constant 0 : index
    %get3A_11 = vector.load %arg4[%get3A_9, %get3A_10] : memref<128x128xf32, #tpu.memory_space<vmem>>, vector<128x128xf32>
    %dot_general3A_12 = arith.constant dense<0.000000e+00> : vector<1024x128xf32>
    %dot_general3A_13 = tpu.matmul %get3A_4, %get3A_11, %dot_general3A_12 {dimension_numbers = #tpu.dot_dimension_numbers<[1], [0], [0], [1], [0, 0, 1, 1], [], []>, transpose_lhs_hint = false} : vector<1024x128xf32>, vector<128x128xf32>, vector<1024x128xf32> -> vector<1024x128xf32>
    %add3A = arith.addf %dot_general3A_8, %dot_general3A_13 : vector<1024x128xf32>
    %get3A_14 = arith.constant 0 : index
    %get3A_15 = arith.constant 0 : index
    %get3A_16 = vector.load %arg7[%get3A_14, %get3A_15] : memref<1x128xf32, #tpu.memory_space<vmem>>, vector<1x128xf32>
    %add3A_17 = vector.broadcast %get3A_16 : vector<1x128xf32> to vector<1024x128xf32>
    %add3A_18 = arith.addf %add3A, %add3A_17 : vector<1024x128xf32>
    %max3A = arith.constant 0.000000e+00 : f32
    %max3A_19 = vector.broadcast %max3A : f32 to vector<1024x128xf32>
    %max3A_20 = arith.maximumf %add3A_18, %max3A_19 : vector<1024x128xf32>
    %get3A_21 = arith.constant 0 : index
    %get3A_22 = arith.constant 0 : index
    %get3A_23 = vector.load %arg8[%get3A_21, %get3A_22] : memref<128x1xf32, #tpu.memory_space<vmem>>, vector<128x1xf32>
    %dot_general3A_24 = arith.constant dense<0.000000e+00> : vector<1024x1xf32>
    %dot_general3A_25 = tpu.matmul %max3A_20, %get3A_23, %dot_general3A_24 {dimension_numbers = #tpu.dot_dimension_numbers<[1], [0], [0], [1], [0, 0, 1, 1], [], []>, transpose_lhs_hint = false} : vector<1024x128xf32>, vector<128x1xf32>, vector<1024x1xf32> -> vector<1024x1xf32>
    %get3A_26 = arith.constant 0 : index
    %get3A_27 = arith.constant 0 : index
    %get3A_28 = vector.load %arg9[%get3A_26, %get3A_27] : memref<1x1xf32, #tpu.memory_space<vmem>>, vector<1x1xf32>
    %get3A_29 = vector.extract %get3A_28[0, 0] : f32 from vector<1x1xf32>
    %add3A_30 = vector.broadcast %get3A_29 : f32 to vector<1024x1xf32>
    %add3A_31 = arith.addf %dot_general3A_25, %add3A_30 : vector<1024x1xf32>
    %logistic3A = arith.negf %add3A_31 : vector<1024x1xf32>
    %logistic3A_32 = math.exp %logistic3A : vector<1024x1xf32>
    %logistic3A_33 = arith.constant 1.000000e+00 : f32
    %logistic3A_34 = vector.broadcast %logistic3A_33 : f32 to vector<1024x1xf32>
    %logistic3A_35 = arith.addf %logistic3A_34, %logistic3A_32 : vector<1024x1xf32>
    %logistic3A_36 = arith.divf %logistic3A_34, %logistic3A_35 : vector<1024x1xf32>
    %swap3A = arith.constant 0 : index
    %swap3A_37 = arith.constant 0 : index
    %swap3A_38 = vector.load %arg10[%swap3A, %swap3A_37] : memref<1024x1xf32, #tpu.memory_space<vmem>>, vector<1024x1xf32>
    tpu.vector_store %arg10[%swap3A, %swap3A_37], %logistic3A_36 {strides = array<i32>} : memref<1024x1xf32, #tpu.memory_space<vmem>>, vector<1024x1xf32>,
    %get3A_39 = arith.constant 0 : index
    %get3A_40 = arith.constant 0 : index
    %get3A_41 = vector.load %arg5[%get3A_39, %get3A_40] : memref<128x128xf32, #tpu.memory_space<vmem>>, vector<128x128xf32>
    %dot_general3A_42 = arith.constant dense<0.000000e+00> : vector<1024x128xf32>
    %dot_general3A_43 = tpu.matmul %get3A_1, %get3A_41, %dot_general3A_42 {dimension_numbers = #tpu.dot_dimension_numbers<[1], [0], [0], [1], [0, 0, 1, 1], [], []>, transpose_lhs_hint = false} : vector<1024x128xf32>, vector<128x128xf32>, vector<1024x128xf32> -> vector<1024x128xf32>
    %get3A_44 = arith.constant 0 : index
    %get3A_45 = arith.constant 0 : index
    %get3A_46 = vector.load %arg6[%get3A_44, %get3A_45] : memref<128x128xf32, #tpu.memory_space<vmem>>, vector<128x128xf32>
    %dot_general3A_47 = arith.constant dense<0.000000e+00> : vector<1024x128xf32>
    %dot_general3A_48 = tpu.matmul %get3A_4, %get3A_46, %dot_general3A_47 {dimension_numbers = #tpu.dot_dimension_numbers<[1], [0], [0], [1], [0, 0, 1, 1], [], []>, transpose_lhs_hint = false} : vector<1024x128xf32>, vector<128x128xf32>, vector<1024x128xf32> -> vector<1024x128xf32>
    %add3A_49 = arith.addf %dot_general3A_43, %dot_general3A_48 : vector<1024x128xf32>
    %get3A_50 = arith.constant 0 : index
    %get3A_51 = arith.constant 0 : index
    %get3A_52 = vector.load %arg7[%get3A_50, %get3A_51] : memref<1x128xf32, #tpu.memory_space<vmem>>, vector<1x128xf32>
    %add3A_53 = vector.broadcast %get3A_52 : vector<1x128xf32> to vector<1024x128xf32>
    %add3A_54 = arith.addf %add3A_49, %add3A_53 : vector<1024x128xf32>
    %max3A_55 = arith.constant 0.000000e+00 : f32
    %max3A_56 = vector.broadcast %max3A_55 : f32 to vector<1024x128xf32>
    %max3A_57 = arith.maximumf %add3A_54, %max3A_56 : vector<1024x128xf32>
    %get3A_58 = arith.constant 0 : index
    %get3A_59 = arith.constant 0 : index
    %get3A_60 = vector.load %arg8[%get3A_58, %get3A_59] : memref<128x1xf32, #tpu.memory_space<vmem>>, vector<128x1xf32>
    %dot_general3A_61 = arith.constant dense<0.000000e+00> : vector<1024x1xf32>
    %dot_general3A_62 = tpu.matmul %max3A_57, %get3A_60, %dot_general3A_61 {dimension_numbers = #tpu.dot_dimension_numbers<[1], [0], [0], [1], [0, 0, 1, 1], [], []>, transpose_lhs_hint = false} : vector<1024x128xf32>, vector<128x1xf32>, vector<1024x1xf32> -> vector<1024x1xf32>
    %get3A_63 = arith.constant 0 : index
    %get3A_64 = arith.constant 0 : index
    %get3A_65 = vector.load %arg9[%get3A_63, %get3A_64] : memref<1x1xf32, #tpu.memory_space<vmem>>, vector<1x1xf32>
    %get3A_66 = vector.extract %get3A_65[0, 0] : f32 from vector<1x1xf32>
    %add3A_67 = vector.broadcast %get3A_66 : f32 to vector<1024x1xf32>
    %add3A_68 = arith.addf %dot_general3A_62, %add3A_67 : vector<1024x1xf32>
    %logistic3A_69 = arith.negf %add3A_68 : vector<1024x1xf32>
    %logistic3A_70 = math.exp %logistic3A_69 : vector<1024x1xf32>
    %logistic3A_71 = arith.constant 1.000000e+00 : f32
    %logistic3A_72 = vector.broadcast %logistic3A_71 : f32 to vector<1024x1xf32>
    %logistic3A_73 = arith.addf %logistic3A_72, %logistic3A_70 : vector<1024x1xf32>
    %logistic3A_74 = arith.divf %logistic3A_72, %logistic3A_73 : vector<1024x1xf32>
    %swap3A_75 = arith.constant 0 : index
    %swap3A_76 = arith.constant 0 : index
    %swap3A_77 = vector.load %arg11[%swap3A_75, %swap3A_76] : memref<1024x1xf32, #tpu.memory_space<vmem>>, vector<1024x1xf32>
    tpu.vector_store %arg11[%swap3A_75, %swap3A_76], %logistic3A_74 {strides = array<i32>} : memref<1024x1xf32, #tpu.memory_space<vmem>>, vector<1024x1xf32>,
    return
  }
  func.func @transform_0(%arg0: i32) -> (i32, i32) {
    %c0_i32 = arith.constant 0 : i32
    %c0_i32_0 = arith.constant 0 : i32
    return %arg0, %c0_i32 : i32, i32
  }
  func.func @transform_1(%arg0: i32) -> (i32, i32) {
    %c0_i32 = arith.constant 0 : i32
    %c0_i32_0 = arith.constant 0 : i32
    return %arg0, %c0_i32 : i32, i32
  }
  func.func @transform_2(%arg0: i32) -> (i32, i32) {
    %c0_i32 = arith.constant 0 : i32
    %c0_i32_0 = arith.constant 0 : i32
    %c0_i32_1 = arith.constant 0 : i32
    return %c0_i32, %c0_i32_0 : i32, i32
  }
  func.func @transform_3(%arg0: i32) -> (i32, i32) {
    %c0_i32 = arith.constant 0 : i32
    %c0_i32_0 = arith.constant 0 : i32
    %c0_i32_1 = arith.constant 0 : i32
    return %c0_i32, %c0_i32_0 : i32, i32
  }
  func.func @transform_4(%arg0: i32) -> (i32, i32) {
    %c0_i32 = arith.constant 0 : i32
    %c0_i32_0 = arith.constant 0 : i32
    %c0_i32_1 = arith.constant 0 : i32
    return %c0_i32, %c0_i32_0 : i32, i32
  }
  func.func @transform_5(%arg0: i32) -> (i32, i32) {
    %c0_i32 = arith.constant 0 : i32
    %c0_i32_0 = arith.constant 0 : i32
    %c0_i32_1 = arith.constant 0 : i32
    return %c0_i32, %c0_i32_0 : i32, i32
  }
  func.func @transform_6(%arg0: i32) -> (i32, i32) {
    %c0_i32 = arith.constant 0 : i32
    %c0_i32_0 = arith.constant 0 : i32
    %c0_i32_1 = arith.constant 0 : i32
    return %c0_i32, %c0_i32_0 : i32, i32
  }
  func.func @transform_7(%arg0: i32) -> (i32, i32) {
    %c0_i32 = arith.constant 0 : i32
    %c0_i32_0 = arith.constant 0 : i32
    %c0_i32_1 = arith.constant 0 : i32
    return %c0_i32, %c0_i32_0 : i32, i32
  }
  func.func @transform_8(%arg0: i32) -> (i32, i32) {
    %c0_i32 = arith.constant 0 : i32
    %c0_i32_0 = arith.constant 0 : i32
    %c0_i32_1 = arith.constant 0 : i32
    return %c0_i32, %c0_i32_0 : i32, i32
  }
  func.func @transform_9(%arg0: i32) -> (i32, i32) {
    %c0_i32 = arith.constant 0 : i32
    %c0_i32_0 = arith.constant 0 : i32
    return %arg0, %c0_i32 : i32, i32
  }
  func.func @transform_10(%arg0: i32) -> (i32, i32) {
    %c0_i32 = arith.constant 0 : i32
    %c0_i32_0 = arith.constant 0 : i32
    return %arg0, %c0_i32 : i32, i32
  }
}

</mosaic_0001>

<sc_bundles>
// kernel: kernel.4.cloned.1.call-start
scs
__scs_entry_jumppad:
0x0: {  	(pc) =	sbr.rel $0x88, $3  }
0x1: {  	(tag) =	ssettag $0x0;
	lr =	simm.s32 $0x1  }
0x2: {  	[smem:$0x3F99] =	sst lr;
	_ =	strace $0xD0000000  }
0x3: {  	_ = 	snop  }
0x4: {  	_ = 	snop  }
0x5: {  	_ = 	snop  }
0x6: {  	_ = 	snop  }
0x7: {  	_ = 	snop  }
__scs_overlays_trampoline_lowered:
0x8: {  	[smem:$0x3FA8] =	sst s0  }
0x9: {  	[smem:$0x3FA9] =	sst s1  }
0xa: {  	[smem:$0x3FAA] =	sst s2  }
0xb: {  	[smem:$0x3FAB] =	sst s3  }
0xc: {  	[smem:$0x3FAC] =	sst s4  }
0xd: {  	[smem:$0x3FAD] =	sst s5  }
0xe: {  	[smem:$0x3FAE] =	sst s6  }
0xf: {  	[smem:$0x3FAF] =	sst s7  }
0x10: {  	[smem:$0x3FB0] =	sst s8  }
0x11: {  	[smem:$0x3FB1] =	sst s9;
	s0 =	simm.s32 @!p0 $0x0  }
0x12: {  	s1 =	sld [smem:$0x3F97];
	s0 =	simm.s32 @p0 $0x1  }
0x13: {  	[smem:$0x3FB2] =	sst s0;
	s0 =	simm.s32 @!p1 $0x0  }
0x14: {  	s2 =	sld [smem:$0x3F96];
	s0 =	simm.s32 @p1 $0x1  }
0x15: {  	[smem:$0x3FB3] =	sst s0;
	s0 =	simm.s32 @!p2 $0x0  }
0x16: {  	s3 =	sld [smem:$0x3FDB];
	s0 =	simm.s32 @p2 $0x1  }
0x17: {  	s4 =	simm.s32 $0x1BF5;
	[smem:$0x3FB5] =	sst s0  }
0x18: {  	s0 =	sld [smem:$0x3F98];
	_ =	swait.ge [sflag:s4], $0x0  }
0x19: {  	s7 =	sld [smem:$0x3F99]  }
0x1a: {  	s8 =	sadd.s32 $0xFFFFE003, lr  }
0x1b: {  	s9 =	sadd.s32 $0xFFFFFEF7, lr;
	s5 =	simm.s32 $0xFFFFFFFF;
	p2 =	slt.u32 s8, $0xFFFFF086  }
0x1c: {  	p1 =	slt.u32 s9, $0xF7A;
	s5 =	simm.s32 @!p2 $0x0  }
0x1d: {  	s5 =	simm.s32 @p1 $0x1;
	p0 =	seq.s32 s7, s2  }
0x1e: {  	s7 =	smul.u32 @!p0 $0xF7A, s2;
	p2 =	seq.s32 @!p0 s5, $0x0  }
0x1f: {  	s9 =	smul.u32 $0xF7A, s1;
	s8 =	simm.s32 @!p0 $0x1BF5;
	p2 =	por !p2, p0  }
0x20: {  	[sflag:s8] =	ssyncset.s32 @!p0 $0xFFFFF086;
	s6 =	sadd.s32 @!p0 s3, s7;
	s7 =	simm.s32 @!p0 $0x108  }
0x21: {  	s3 =	sadd.s32 s3, s9;
	s6 =	sadd.s32 @!p0 $0x88, s6;
	s7 =	simm.s32 @p2 $0x1082  }
0x22: {  	[simem:s7], [sflag:s8] =	dma.local @!p0 [hbm:s6], $0xF7A  }
0x23: {  	s9 =	sor.u32 $0xD0000000, s2;
	s6 =	simm.s32 $0x108;
	_ =	swait.ge @!p0 [sflag:s8], $0x0  }
0x24: {  	s3 =	sadd.s32 $0x88, s3;
	s6 =	simm.s32 @!p1 $0x1082;
	[sflag:s4] =	ssyncset.s32 $0xFFFFF086  }
0x25: {  	[simem:s6], [sflag:s4] =	dma.local [hbm:s3], $0xF7A  }
0x26: {  	[smem:$0x3F99] =	sst s1;
	(tag) =	ssettag s2;
	_ =	strace s9  }
0x27: {  	s1 =	sld [smem:$0x3FA9]  }
0x28: {  	s2 =	sld [smem:$0x3FAA]  }
0x29: {  	s4 =	sld [smem:$0x3FAC]  }
0x2a: {  	p0 =	seq.s32 s5, $0x0;
	s5 =	sld [smem:$0x3FAD]  }
0x2b: {  	s6 =	sld [smem:$0x3FAE]  }
0x2c: {  	s7 =	sld [smem:$0x3FAF]  }
0x2d: {  	s3 =	simm.s32 $0x108;
	s8 =	sld [smem:$0x3FB0]  }
0x2e: {  	s3 =	simm.s32 @!p0 $0x1082;
	s9 =	sld [smem:$0x3FB1]  }
0x2f: {  	lr =	sadd.s32 s0, s3;
	s0 =	sld [smem:$0x3FA8]  }
0x30: {  	s3 =	sld [smem:$0x3FAB]  }
0x31: {  	[smem:$0x3FB4] =	sst s10  }
0x32: {  	s10 =	sld [smem:$0x3FB2];
	_ =	sdelay $0x3  }
0x33: {  	p0 =	seq.s32 s10, $0x1;
	s10 =	sld [smem:$0x3FB4];
	_ =	sdelay $0x3  }
0x34: {  	[smem:$0x3FB4] =	sst s10  }
0x35: {  	s10 =	sld [smem:$0x3FB3];
	_ =	sdelay $0x3  }
0x36: {  	p1 =	seq.s32 s10, $0x1;
	s10 =	sld [smem:$0x3FB4];
	_ =	sdelay $0x3  }
0x37: {  	[smem:$0x3FB4] =	sst s10  }
0x38: {  	s10 =	sld [smem:$0x3FB5]  }
0x39: {  	_ = 	snop;
	(pc) =	sbr.ind lr, $3  }
0x3a: {  	_ = 	snop  }
0x3b: {  	_ = 	snop  }
0x3c: {  	p2 =	seq.s32 s10, $0x1;
	s10 =	sld [smem:$0x3FB4]  }
0x3d: {  	_ =	shalt  }
0x3e: {  	_ =	shalt  }
0x3f: {  	_ =	shalt  }
0x40: {  	_ =	shalt  }
0x41: {  	_ =	shalt  }
0x42: {  	_ =	shalt  }
0x43: {  	_ =	shalt  }
0x44: {  	_ =	shalt  }
0x45: {  	_ =	shalt  }
0x46: {  	_ =	shalt  }
0x47: {  	_ =	shalt  }
0x48: {  	_ =	shalt  }
0x49: {  	_ =	shalt  }
0x4a: {  	_ =	shalt  }
0x4b: {  	_ =	shalt  }
0x4c: {  	_ =	shalt  }
0x4d: {  	_ =	shalt  }
0x4e: {  	_ =	shalt  }
0x4f: {  	_ =	shalt  }
0x50: {  	_ =	shalt  }
0x51: {  	_ =	shalt  }
0x52: {  	_ =	shalt  }
0x53: {  	_ =	shalt  }
0x54: {  	_ =	shalt  }
0x55: {  	_ =	shalt  }
0x56: {  	_ =	shalt  }
0x57: {  	_ =	shalt  }
0x58: {  	_ =	shalt  }
0x59: {  	_ =	shalt  }
0x5a: {  	_ =	shalt  }
0x5b: {  	_ =	shalt  }
0x5c: {  	_ =	shalt  }
0x5d: {  	_ =	shalt  }
0x5e: {  	_ =	shalt  }
0x5f: {  	_ =	shalt  }
0x60: {  	_ =	shalt  }
0x61: {  	_ =	shalt  }
0x62: {  	_ =	shalt  }
0x63: {  	_ =	shalt  }
0x64: {  	_ =	shalt  }
0x65: {  	_ =	shalt  }
0x66: {  	_ =	shalt  }
0x67: {  	_ =	shalt  }
0x68: {  	_ =	shalt  }
0x69: {  	_ =	shalt  }
0x6a: {  	_ =	shalt  }
0x6b: {  	_ =	shalt  }
0x6c: {  	_ =	shalt  }
0x6d: {  	_ =	shalt  }
0x6e: {  	_ =	shalt  }
0x6f: {  	_ =	shalt  }
0x70: {  	_ =	shalt  }
0x71: {  	_ =	shalt  }
0x72: {  	_ =	shalt  }
0x73: {  	_ =	shalt  }
0x74: {  	_ =	shalt  }
0x75: {  	_ =	shalt  }
0x76: {  	_ =	shalt  }
0x77: {  	_ =	shalt  }
0x78: {  	_ =	shalt  }
0x79: {  	_ =	shalt  }
0x7a: {  	_ =	shalt  }
0x7b: {  	_ =	shalt  }
0x7c: {  	_ =	shalt  }
0x7d: {  	_ =	shalt  }
0x7e: {  	_ =	shalt  }
0x7f: {  	_ =	shalt  }
0x80: {  	_ =	shalt  }
0x81: {  	_ =	shalt  }
0x82: {  	_ =	shalt  }
0x83: {  	_ =	shalt  }
0x84: {  	_ =	shalt  }
0x85: {  	_ =	shalt  }
0x86: {  	_ =	shalt  }
0x87: {  	_ =	shalt  }
.Lfunc_end0:
.L_simem_size_0:
called_computation_lowered:
.L_overlay_start_0:
0x88: {  	s2 =	sld [smem:$0x3FD9]  }
0x89: {  	s3 =	sld [smem:$0x3FFE];
	_ =	sdelay $0x1  }
0x8a: {  	s1 =	srdreg.scid  }
0x8b: {  	s0 =	sand.u32 $0x1, s1  }
0x8c: {  	s17 =	sshll.u32 s0, $0xA;
	s2 =	sadd.s32 s3, s2  }
0x8d: {  	s2 =	sadd.s32 s2, s17  }
0x8e: {  	[smem:$0x3FC0] =	sst s2  }
0x8f: {  	_ = 	snop  }
0x90: {  	s2 =	sld [smem:$0x3FC9]  }
0x91: {  	s18 =	sld [smem:$0x3FC8]  }
0x92: {  	s4 =	sld [smem:$0x3FC7]  }
0x93: {  	s5 =	sld [smem:$0x3FC6];
	(tm) =	ssettm $0x1  }
0x94: {  	s6 =	sld [smem:$0x3FFB];
	_ =	sdelay $0x3  }
0x95: {  	_ =	strace s6  }
0x96: {  	s6 =	sld [smem:$0x3FFC];
	_ =	sdelay $0x3  }
0x97: {  	_ =	strace s6  }
0x98: {  	s6 =	sld [smem:$0x3FFD];
	_ =	sdelay $0x3  }
0x99: {  	_ =	strace s6  }
0x9a: {  	_ =	strace $0x8FFFFFFF  }
0x9b: {  	s19 =	sld [smem:$0x3FDB];
	_ =	sdelay $0x1  }
0x9c: {  	s7 =	simm.s32 $_scs_section_size  }
0x9d: {  	s8 =	simm.s32 $_size__tile_overlayer_lowered;
	s9 =	simm.s32 $_tile_overlayer_lowered  }
0x9e: {  	s22 =	simm.s32 $0x1BFF;
	s21 =	sshll.u32 s9, $0x1;
	s6 =	sadd.s32 s7, s19  }
0x9f: {  	s10 =	simm.s32 $0x0;
	s20 =	sshll.u32 s8, $0x1;
	s8 =	sadd.s32 s21, s6  }
0xa0: {  	[timem:s10], [sflag:s22] =	dma.local [hbm:s8], s20  }
0xa1: {  	_ =	swait.ge [sflag:s22], s20  }
0xa2: {  	s7 =	ssub.s32 $0x0, s20;
	[sflag:s22] =	ssyncset.done $0x0  }
0xa3: {  	[sflag:s22] =	ssyncadd.s32 s7;
	_ =	sdelay $0x1  }
0xa4: {  	s23 =	simm.s32 $0x1B8B  }
0xa5: {  	_ =	swait.ge [sflag:s23], $0x1  }
0xa6: {  	[sflag:s23] =	ssyncset.done $0x0  }
0xa7: {  	s25 =	simm.s32 $0x1B8E;
	s24 =	sld [smem:$0x3FFE];
	[sflag:s23] =	ssyncadd.s32 $0xFFFFFFFF  }
0xa8: {  	s26 =	simm.s32 $execute0_lowered;
	[smem:$0x3FD2] =	sst s25  }
0xa9: {  	s8 =	sshll.u32 s26, $0x1;
	_ =	strace $0x80000046;
	[dreg:$0x1] =	wrdreg $0xFFFFFFFF  }
0xaa: {  	s28 =	simm.s32 $_size_execute0_lowered;
	s6 =	sadd.s32 s6, s8;
	[dreg:$0x0] =	wrdreg $0x0  }
0xab: {  	s8 =	sshll.u32 s28, $0x1;
	[dreg:$0x2] =	wrdreg s6  }
0xac: {  	[dreg:$0x3] =	wrdreg s8  }
0xad: {  	[dreg:$0x4] =	wrdreg $0xC0  }
0xae: {  	_ =	task [dreg:s10], $0x5FFFF  }
0xaf: {  	[dreg:$0x1] =	wrdreg $0xFFFFFFFF  }
0xb0: {  	[dreg:$0x0] =	wrdreg $0x60  }
0xb1: {  	[dreg:$0x2] =	wrdreg s2  }
0xb2: {  	[dreg:$0x3] =	wrdreg s18  }
0xb3: {  	[dreg:$0x4] =	wrdreg s4  }
0xb4: {  	[dreg:$0x5] =	wrdreg s5  }
0xb5: {  	[dreg:$0x6] =	wrdreg s24  }
0xb6: {  	[dreg:$0x7] =	wrdreg $0x9  }
0xb7: {  	_ =	task.clear_ibuf [dreg:s10], $0x8FFFF;
	_ =	strace $0x90000046  }
0xb8: {  	s29 =	simm.s32 $0x9;
	_ =	strace $0x80000048  }
0xb9: {  	_ =	swait.ge [sflag:s29], $0x1  }
0xba: {  	[sflag:s29] =	ssyncadd.s32 $0xFFFFFFFF  }
0xbb: {  	_ =	strace $0x90000048  }
0xbc: {  	_ =	sfence  }
0xbd: {  	s30 =	sld [smem:$0x0];
	_ =	sdelay $0x2  }
0xbe: {  	s31 =	sshll.u32 s1, $0xD;
	s1 =	sshrl.u32 s1, $0x2  }
0xbf: {  	s3 =	sand.u32 $0x4000, s31;
	s1 =	sadd.s32 s1, s30  }
0xc0: {  	s0 =	sor.u32 s3, s0;
	s1 =	sshll.u32 s1, $0x11  }
0xc1: {  	s0 =	sor.u32 s1, s0  }
0xc2: {  	s0 =	sadd.s32 $0x8F2B, s0  }
0xc3: {  	[sflag:s0] =	ssyncadd.remote.s32 $0x1  }
0xc4: {  	_ =	sfence.sel $0xFFFF  }
0xc5: {  	[dreg:$0x0] =	wrdreg $0xFFFFFFFF;
	(pc) =	sbr.abs _section_cstart, $3  }
0xc6: {  	[dreg:$0x1] =	wrdreg $0xFFFFFFFF  }
0xc7: {  	_ =	task.clear_ibuf [dreg:s10], $0x2FFFF;
	_ =	strace $0x9FFFFFFF  }
0xc8: {  	(tm) =	ssettm $0x7FFFFFFF  }
0xc9: {  	_ =	shalt  }
tec
execute0_lowered:
.L_overlay_start_1:
0x0: {  	(tag) =	ssettag $0x1  }
0x1: {  	s5 =	rddreg [dreg:$0x0]  }
0x2: {  	s6 =	rddreg [dreg:$0x1]  }
0x3: {  	s1 =	rddreg [dreg:$0x2]  }
0x4: {  	s3 =	rddreg [dreg:$0x3]  }
0x5: {  	s7 =	rddreg [dreg:$0x4]  }
0x6: {  	s0 =	rddreg [dreg:$0x5]  }
0x7: {  	s8 =	srdreg.scid;
	s2 =	stileid.u32  }
0x8: {  	s4 =	simm.s32 $0x0;
	s12 =	simm.s32 $0x7A1400;
	s13 =	simm.s32 $0x400  }
0x9: {  	s14 =	simm.s32 $0x4400;
	s15 =	simm.s32 $0x1;
	s16 =	simm.s32 $0x2  }
0xa: {  	s17 =	simm.s32 $0x8400;
	s18 =	simm.s32 $0x10400;
	s19 =	simm.s32 $0x0  }
0xb: {  	s8 =	sand.u32 $0x1, s8;
	s9 =	sshll.u32 s2, $0x1;
	[smem:$0x7FF] =	sst s4  }
0xc: {  	s9 =	sor.u32 s8, s9;
	s8 =	ssub.s32 $0x2, s8;
	_ =	strace $0x80000047  }
0xd: {  	v0 =	vlaneseq.u32;
	s10 =	sshll.u32 s9, $0xC;
	s11 =	sshrl.u32 s8, $0x1;
	s31 =	sshll.u32 s9, $0x6  }
0xe: {  	v1 =	vmul.u32 $0x80, v0;
	s10 =	sadd.s32 s10, s7;
	s11 =	ssub.s32 s8, s11;
	s5 =	sadd.s32 s5, s31  }
0xf: {  	vm0 =	vmmov $0x1;
	s6 =	sadd.s32 s6, s31;
	s7 =	sadd.s32 $0x1A00, s10;
	s8 =	sadd.s32 $0x21A00, s10  }
0x10: {  	v2 =	vor.u32 $0x800, v1;
	v3 =	vor.u32 $0x1000, v1;
	v4 =	vor.u32 $0x1800, v1;
	s9 =	smax.u32 s11, $0x1;
	s10 =	simm.s32 $0x3;
	s11 =	simm.s32 $0x200  }
.LBB2_1:
0x11: {  	[tilespmem:s4], [sflag:$0x3] =	stream.linear.gather [hbm4b:s5+s4], $0x200, $0x38;
	[tilespmem:$0x18400] =	vst v63  }
0x12: {  	_ =	swait.ge [sflag:s10], $0x200  }
0x13: {  	[sflag:s10] =	ssyncset.done $0x0  }
0x14: {  	[sflag:s10] =	ssyncadd.s32 $0xFFFFFE00  }
0x15: {  	[tilespmem:s11], [sflag:$0x3] =	stream.linear.gather [hbm4b:s6+s4], $0x200, $0x38;
	[tilespmem:$0x18400] =	vst v63  }
0x16: {  	_ =	swait.ge [sflag:s10], $0x200  }
0x17: {  	[sflag:s10] =	ssyncset.done $0x0  }
0x18: {  	[sflag:s10] =	ssyncadd.s32 $0xFFFFFE00  }
0x19: {  	v5 =	vld [tilespmem:$0x0];
	_ =	sdelay $0x4  }
0x1a: {  	v5 =	vnsel vm0, $0x0, v5  }
0x1b: {  	v5 =	vxor.u32 $0x80000000, v5  }
0x1c: {  	(xrf0) =	vmax.scan.msk.u32 $0xffff, v5;
	_ =	sdelay $0x5  }
0x1d: {  	v5, _, _ =	vpop (xrf0)  }
0x1e: {  	(v2sf) =	vpush v5, $0xF;
	_ =	sdelay $0xe  }
0x1f: {  	s20 =	spop (v2sf)  }
0x20: {  	s20 =	sand.u32 $0x1FFFFF80, s20  }
0x21: {  	s20 =	sadd.s32 s1, s20  }
0x22: {  	[tilespmem:s13], [sflag:$0x1] =	stream.strided.gather [hbm4b:s20+s13], $0x2000, s12, s13, $0x38;
	[tilespmem:$0x18400] =	vst v63  }
0x23: {  	v5 =	vld [tilespmem:$0x200];
	_ =	sdelay $0x4  }
0x24: {  	v5 =	vnsel vm0, $0x0, v5  }
0x25: {  	v5 =	vxor.u32 $0x80000000, v5  }
0x26: {  	(xrf0) =	vmax.scan.msk.u32 $0xffff, v5;
	_ =	sdelay $0x5  }
0x27: {  	v5, _, _ =	vpop (xrf0)  }
0x28: {  	(v2sf) =	vpush v5, $0xF;
	_ =	sdelay $0xe  }
0x29: {  	s31 =	spop (v2sf)  }
0x2a: {  	s20 =	sand.u32 $0x1FFFFF80, s31  }
0x2b: {  	s20 =	sadd.s32 s3, s20  }
0x2c: {  	[tilespmem:s14], [sflag:$0x2] =	stream.strided.gather [hbm4b:s20+s13], $0x2000, s12, s13, $0x38;
	[tilespmem:$0x18400] =	vst v63  }
0x2d: {  	s20 =	simm.s32 $0x0  }
.LBB2_2:
0x2e: {  	p0 =	seq.s32 s20, $0x1FF  }
0x2f: {  	s21 =	smov.u32 s20;
	s20 =	sadd.s32 @!p0 $0x1, s20  }
0x30: {  	s22 =	sand.u32 @!p0 $0x3F0, s20  }
0x31: {  	v5 =	vld @!p0 [tilespmem:s22+$0x0];
	_ =	sdelay $0x2  }
0x32: {  	s23 =	sand.u32 @!p0 $0xF, s20  }
0x33: {  	v7 =	vlaneseq.u32 @!p0;
	v6 =	vmov @!p0 s23  }
0x34: {  	vm1 =	veq.s32 @!p0 v6, v7;
	v5 =	vxor.u32 @!p0 $0x80000000, v5  }
0x35: {  	v5 =	vnsel @!p0 vm1, $0x80000000, v5  }
0x36: {  	(xrf0) =	vmax.scan.msk.u32 @!p0 $0xffff, v5;
	_ =	sdelay $0x5  }
0x37: {  	v5, _, _ =	vpop @!p0 (xrf0)  }
0x38: {  	(v2sf) =	vpush @!p0 v5, $0xF;
	_ =	sdelay $0xe  }
0x39: {  	s23 =	sshll.u32 @!p0 s20, $0xD;
	s24 =	spop @!p0 (v2sf)  }
0x3a: {  	s26 =	simm.s32 @!p0 $0x400;
	s23 =	sand.u32 @!p0 $0x2000, s23;
	s24 =	sand.u32 @!p0 $0x1FFFFF80, s24  }
0x3b: {  	s28 =	simm.s32 @!p0 $0x7A1400;
	s25 =	sor.u32 @!p0 $0x400, s23;
	s24 =	sadd.s32 @!p0 s1, s24  }
0x3c: {  	[tilespmem:s25], [sflag:$0x1] =	stream.strided.gather @!p0 [hbm4b:s24+s26], $0x2000, s28, s26, $0x38;
	[tilespmem:$0x18400] =	vst v63  }
0x3d: {  	v5 =	vld @!p0 [tilespmem:s22+$0x200];
	_ =	sdelay $0x4  }
0x3e: {  	v5 =	vxor.u32 @!p0 $0x80000000, v5  }
0x3f: {  	v5 =	vnsel @!p0 vm1, $0x80000000, v5  }
0x40: {  	(xrf0) =	vmax.scan.msk.u32 @!p0 $0xffff, v5;
	_ =	sdelay $0x5  }
0x41: {  	v5, _, _ =	vpop @!p0 (xrf0)  }
0x42: {  	(v2sf) =	vpush @!p0 v5, $0xF;
	_ =	sdelay $0xe  }
0x43: {  	s22 =	spop @!p0 (v2sf)  }
0x44: {  	s22 =	sand.u32 @!p0 $0x1FFFFF80, s22  }
0x45: {  	s23 =	sor.u32 @!p0 $0x4400, s23;
	s22 =	sadd.s32 @!p0 s3, s22  }
0x46: {  	[tilespmem:s23], [sflag:$0x2] =	stream.strided.gather @!p0 [hbm4b:s22+s26], $0x2000, s28, s26, $0x38;
	[tilespmem:$0x18400] =	vst v63  }
0x47: {  	_ =	swait.ge [sflag:s15], $0x2000  }
0x48: {  	[sflag:s15] =	ssyncset.done $0x0  }
0x49: {  	s31 =	sand.u32 $0x1F0, s21;
	[sflag:s15] =	ssyncadd.s32 $0xFFFFE000  }
0x4a: {  	v5 =	vld [tilespmem:s31+$0x0];
	_ =	sdelay $0x2  }
0x4b: {  	s25 =	sand.u32 $0xF, s21  }
0x4c: {  	v6 =	vmov s25  }
0x4d: {  	vm1 =	veq.s32 v6, v0;
	v5 =	vxor.u32 $0x80000000, v5  }
0x4e: {  	v5 =	vnsel vm1, $0x80000000, v5  }
0x4f: {  	(xrf0) =	vmax.scan.msk.u32 $0xffff, v5;
	_ =	sdelay $0x5  }
0x50: {  	v5, _, _ =	vpop (xrf0)  }
0x51: {  	(v2sf) =	vpush v5, $0xF;
	_ =	sdelay $0xe  }
0x52: {  	s26 =	spop (v2sf)  }
0x53: {  	s23 =	sand.u32 $0x7F, s26  }
0x54: {  	v5 =	vor.u32 s23, v1;
	_ =	sdelay $0x1  }
0x55: {  	s28 =	sshll.u32 s21, $0xD  }
0x56: {  	s24 =	sand.u32 $0x2000, s28  }
0x57: {  	s29 =	sor.u32 $0x400, s24  }
0x58: {  	v5 =	vld.idx.msk [tilespmem:v5+s29+$0x0], $0xffff  }
0x59: {  	v6 =	vor.u32 s23, v2;
	_ =	sdelay $0x1  }
0x5a: {  	s21 =	sshll.u32 s21, $0x6  }
0x5b: {  	s21 =	sand.u32 $0x7FC0, s21  }
0x5c: {  	[tilespmem:s21+$0x8400] =	vst v5  }
0x5d: {  	v5 =	vld.idx.msk [tilespmem:v6+s29+$0x0], $0xffff  }
0x5e: {  	v6 =	vor.u32 s23, v3;
	_ =	sdelay $0x3  }
0x5f: {  	[tilespmem:s21+$0x8410] =	vst v5  }
0x60: {  	v5 =	vld.idx.msk [tilespmem:v6+s29+$0x0], $0xffff  }
0x61: {  	v6 =	vor.u32 s23, v4;
	_ =	sdelay $0x3  }
0x62: {  	[tilespmem:s21+$0x8420] =	vst v5  }
0x63: {  	v5 =	vld.idx.msk [tilespmem:v6+s29+$0x0], $0xffff;
	_ =	sdelay $0x4  }
0x64: {  	[tilespmem:s21+$0x8430] =	vst v5  }
0x65: {  	_ =	swait.ge [sflag:s16], $0x2000  }
0x66: {  	[sflag:s16] =	ssyncset.done $0x0  }
0x67: {  	[sflag:s16] =	ssyncadd.s32 $0xFFFFE000  }
0x68: {  	v5 =	vld [tilespmem:s31+$0x200];
	_ =	sdelay $0x4  }
0x69: {  	v5 =	vxor.u32 $0x80000000, v5  }
0x6a: {  	v5 =	vnsel vm1, $0x80000000, v5  }
0x6b: {  	(xrf0) =	vmax.scan.msk.u32 $0xffff, v5;
	_ =	sdelay $0x5  }
0x6c: {  	v5, _, _ =	vpop (xrf0)  }
0x6d: {  	(v2sf) =	vpush v5, $0xF;
	_ =	sdelay $0xe  }
0x6e: {  	s30 =	spop (v2sf)  }
0x6f: {  	s22 =	sand.u32 $0x7F, s30  }
0x70: {  	v5 =	vor.u32 s22, v1;
	_ =	sdelay $0x3  }
0x71: {  	s31 =	sor.u32 $0x4400, s24  }
0x72: {  	v5 =	vld.idx.msk [tilespmem:v5+s31+$0x0], $0xffff  }
0x73: {  	v6 =	vor.u32 s22, v2;
	_ =	sdelay $0x3  }
0x74: {  	[tilespmem:s21+$0x10400] =	vst v5  }
0x75: {  	v5 =	vld.idx.msk [tilespmem:v6+s31+$0x0], $0xffff  }
0x76: {  	v6 =	vor.u32 s22, v3;
	_ =	sdelay $0x3  }
0x77: {  	[tilespmem:s21+$0x10410] =	vst v5  }
0x78: {  	v5 =	vld.idx.msk [tilespmem:v6+s31+$0x0], $0xffff  }
0x79: {  	v6 =	vor.u32 s22, v4;
	_ =	sdelay $0x3  }
0x7a: {  	s20 =	simm.s32 @p0 $0x200;
	[tilespmem:s21+$0x10420] =	vst v5  }
0x7b: {  	p0 =	sne.s32 s20, $0x200;
	v5 =	vld.idx.msk [tilespmem:v6+s31+$0x0], $0xffff  }
.Ltmp0:
0x7c: {  	_ = 	snop;
	(pc) =	sbr.rel @p0 .LBB2_2-.Ltmp0, $2  }
0x7d: {  	_ =	sdelay $0x2  }
0x7e: {  	[tilespmem:s21+$0x10430] =	vst v5  }
0x7f: {  	[hbm4b:s7+s4] =	stream.linear.scatter [tilespmem:s17], [sflag:$0x3], $0x8000, $0x38;
	[tilespmem:$0x18400] =	vst v63  }
0x80: {  	s19 =	sadd.s32 $0x1, s19;
	_ =	swait.ge [sflag:s10], $0x8000  }
0x81: {  	p0 =	sne.s32 s19, s9;
	[sflag:s10] =	ssyncset.done $0x0  }
.Ltmp1:
0x82: {  	[sflag:s10] =	ssyncadd.s32 $0xFFFF8000;
	(pc) =	sbr.rel @p0 .LBB2_1-.Ltmp1, $4  }
0x83: {  	[hbm4b:s8+s4] =	stream.linear.scatter [tilespmem:s18], [sflag:$0x3], $0x8000, $0x38;
	[tilespmem:$0x18400] =	vst v63  }
0x84: {  	_ =	swait.ge [sflag:s10], $0x8000  }
0x85: {  	[sflag:s10] =	ssyncset.done $0x0  }
0x86: {  	[sflag:s10] =	ssyncadd.s32 $0xFFFF8000  }
0x87: {  	_ =	sfence.sel $0x180000  }
0x88: {  	[bflag:$0x0] =	sbarrier.arrive $0xFFFF  }
0x89: {  	p0 =	sne.s32 s2, $0x0;
	_ =	strace $0x90000047  }
0x8a: {  	s0 =	sadd.s32 @!p0 $0x100000, s0;
	[bflag:$0x2] =	sbarrier.arrive $0xFFFF  }
0x8b: {  	[sflag:s0] =	ssyncadd.tile.s32 @!p0 $0x1;
	_ =	shalt  }
.Lfunc_end2:
_tile_overlayer_lowered:
.L_overlay_start_2:
0x8c: {  	(tag) =	ssettag $0x2  }
0x8d: {  	s0 =	rddreg [dreg:$0x0];
	s2 =	stileid.u32  }
0x8e: {  	s1 =	rddreg [dreg:$0x1];
	p0 =	sne.s32 s2, $0x0  }
0x8f: {  	s3 =	rddreg [dreg:$0x2];
	[bflag:$0x3] =	sbarrier.arrive $0xFFFF;
	s2 =	simm.s32 @!p0 $0x1C03  }
0x90: {  	[timem:s3], [sflag:s2] =	dma.local @!p0 [hbm:s0], s1  }
0x91: {  	s0 =	simm.s32 @!p0 $0x3  }
0x92: {  	_ =	swait.ge @!p0 [sflag:s0], s1  }
0x93: {  	s1 =	ssub.s32 @!p0 $0x0, s1;
	[sflag:s0] =	ssyncset.done @!p0 $0x0  }
0x94: {  	[sflag:s0] =	ssyncadd.s32 @!p0 s1  }
0x95: {  	[bflag:$0x3] =	sbarrier.arrive $0xFFFF  }
0x96: {  	_ =	shalt  }

</sc_bundles>
